<compile_context>
chip_gen: v7x
topology: tpu7x:2x2x1
jax: 0.10.2.dev20260603
libtpu: 0.0.44.dev20260713+nightly
codegen_flags: <defaults>
</compile_context>

<pallas_src>
import functools

import jax
import jax.numpy as jnp
from jax import lax
from jax.experimental import pallas as pl
from jax.experimental.pallas import tpu as pltpu
from jax.experimental.pallas import tpu_sc as plsc

B = 16384
D = 64
K = 20
NC = 2
NS = 16
NW = NC * NS
RPW = B // NW
NPW = RPW * K
CH = 16
NEGC = CH * K
NCHUNK = RPW // CH
LS = D // 16


def _dot16(a_ref, a_row, b_ref, b_row):
    acc = a_ref[a_row, pl.ds(0, 16)] * b_ref[b_row, pl.ds(0, 16)]
    for c in range(1, LS):
        acc = acc + a_ref[a_row, pl.ds(c * 16, 16)] * b_ref[b_row, pl.ds(c * 16, 16)]
    return jnp.sum(acc)


def _sc_body(centers_hbm, positives_hbm, negs_hbm, win_hbm, wout_hbm,
             pos_hbm, negsc_hbm,
             cidx, pidx, nidx, cbuf, pbuf, nbuf, pos_o, neg_o, sem):
    wid = lax.axis_index("s") * NC + lax.axis_index("c")
    base = wid * RPW
    nbase = wid * NPW

    pltpu.sync_copy(centers_hbm.at[pl.ds(base, RPW)], cidx)
    pltpu.sync_copy(positives_hbm.at[pl.ds(base, RPW)], pidx)
    pltpu.sync_copy(negs_hbm.at[pl.ds(nbase, NPW)], nidx)

    cps = [
        pltpu.async_copy(win_hbm.at[cidx.at[pl.ds(c * 128, 128)]],
                         cbuf.at[pl.ds(c * 128, 128)], sem)
        for c in range(RPW // 128)
    ]
    for cp in cps:
        cp.wait()

    def chunk(j, _):
        ro = j * CH
        no = j * NEGC
        cp_p = pltpu.async_copy(wout_hbm.at[pidx.at[pl.ds(ro, CH)]], pbuf, sem)
        cps_n = [
            pltpu.async_copy(wout_hbm.at[nidx.at[pl.ds(no + o, sz)]],
                             nbuf.at[pl.ds(o, sz)], sem)
            for o, sz in ((0, 128), (128, 128), (256, 64))
        ]
        cp_p.wait()
        for cp in cps_n:
            cp.wait()

        lanes = lax.iota(jnp.int32, 16)

        def row_body(r, pos_vec):
            row = ro + r
            pos_vec = jnp.where(lanes == r, _dot16(cbuf, row, pbuf, r), pos_vec)
            v0 = jnp.zeros((16,), jnp.float32)
            v1 = jnp.zeros((16,), jnp.float32)
            for k in range(16):
                v0 = jnp.where(lanes == k, _dot16(cbuf, row, nbuf, r * K + k), v0)
            for k in range(16, K):
                v1 = jnp.where(lanes == k - 16,
                               _dot16(cbuf, row, nbuf, r * K + k), v1)
            nb = no + r * K
            plsc.store_scatter(neg_o, [nb + lanes], v0)
            plsc.store_scatter(neg_o, [nb + 16 + lanes], v1, mask=lanes < K - 16)
            return pos_vec

        pos_vec = lax.fori_loop(0, CH, row_body, jnp.zeros((16,), jnp.float32))
        pos_o[pl.ds(ro, CH)] = pos_vec
        return 0

    lax.fori_loop(0, NCHUNK, chunk, 0)

    pltpu.sync_copy(pos_o, pos_hbm.at[pl.ds(base, RPW)])
    pltpu.sync_copy(neg_o, negsc_hbm.at[pl.ds(nbase, NPW)])


_sc_scores = pl.kernel(
    _sc_body,
    out_type=(
        jax.ShapeDtypeStruct((B,), jnp.float32),
        jax.ShapeDtypeStruct((B * K,), jnp.float32),
    ),
    mesh=plsc.VectorSubcoreMesh(
        core_axis_name="c", subcore_axis_name="s",
        num_cores=NC, num_subcores=NS,
    ),
    compiler_params=pltpu.CompilerParams(
        needs_layout_passes=False, use_tc_tiling_on_sc=False,
    ),
    scratch_types=[
        pltpu.VMEM((RPW,), jnp.int32),
        pltpu.VMEM((RPW,), jnp.int32),
        pltpu.VMEM((NPW,), jnp.int32),
        pltpu.VMEM((RPW, D), jnp.float32),
        pltpu.VMEM((CH, D), jnp.float32),
        pltpu.VMEM((NEGC, D), jnp.float32),
        pltpu.VMEM((RPW,), jnp.float32),
        pltpu.VMEM((NPW,), jnp.float32),
        pltpu.SemaphoreType.DMA,
    ],
)


def _log_sigmoid(x):
    return jnp.minimum(x, 0.0) - jnp.log1p(jnp.exp(-jnp.abs(x)))


def _loss_body(pos_ref, neg_ref, out_ref):
    ls_pos = jnp.sum(_log_sigmoid(pos_ref[...]))
    ls_neg = jnp.sum(_log_sigmoid(-neg_ref[...]))
    out_ref[0, 0] = -(ls_pos + ls_neg) / B


_loss = pl.pallas_call(
    _loss_body,
    out_shape=jax.ShapeDtypeStruct((1, 1), jnp.float32),
    out_specs=pl.BlockSpec(memory_space=pltpu.SMEM),
)


@jax.jit
def kernel(centers, positives, negatives, W_in, W_out):
    pos_s, neg_s = _sc_scores(centers, positives, negatives.reshape(-1),
                              W_in, W_out)
    total = _loss(pos_s.reshape(128, B // 128), neg_s.reshape(B * K // 128, 128))
    return total[0, 0]

# --- scband reference (transcript-rebuilt; emitter-appended) ---
"""Pipeline reference for scband-skip-gram-ns-10247791968895 (READ-ONLY COPY).

The authoritative reference and input builder live on the scoring server;
editing this copy changes nothing except your own understanding.
"""

import jax, jax.numpy as jnp
import numpy as np
import math

VOCAB = 1000000
DIM = 64
BATCH = 16384
NEG = 20

def setup_inputs(seed: int = 0) -> dict:
    key = jax.random.key(seed)
    k1, k2, k3, k4, k5 = jax.random.split(key, 5)
    centers = jax.random.randint(k1, (BATCH,), 0, VOCAB, dtype=jnp.int64 if jax.config.jax_enable_x64 else jnp.int32).astype(jnp.int32)
    positives = jax.random.randint(k2, (BATCH,), 0, VOCAB).astype(jnp.int32)
    negatives = jax.random.randint(k3, (BATCH, NEG), 0, VOCAB).astype(jnp.int32)
    bound = 1.0 / math.sqrt(DIM)
    W_in = jax.random.uniform(k4, (VOCAB, DIM), minval=-bound, maxval=bound, dtype=jnp.float32)
    # Original inits output embeddings to zeros; use small random values so the
    # computation (and backward) is numerically non-degenerate.
    W_out = jax.random.normal(k5, (VOCAB, DIM), dtype=jnp.float32) * 0.01
    return {"centers": centers, "positives": positives, "negatives": negatives, "W_in": W_in, "W_out": W_out}

def reference(centers, positives, negatives, W_in, W_out):
    center_vec = jnp.take(W_in, centers, axis=0)          # [B, d]
    positive_vec = jnp.take(W_out, positives, axis=0)     # [B, d]
    pos_score = jnp.sum(center_vec * positive_vec, axis=1)  # [B]
    pos_loss = jax.nn.log_sigmoid(pos_score)
    neg_vec = jnp.take(W_out, negatives, axis=0)          # [B, K, d]
    neg_score = jnp.einsum('bkd,bd->bk', neg_vec, center_vec)  # [B, K]
    neg_loss = jnp.sum(jax.nn.log_sigmoid(-neg_score), axis=1)  # [B]
    return -jnp.mean(pos_loss + neg_loss)

if __name__ == "__main__":
    import jax
    _d = setup_inputs()
    print(jax.jit(kernel)(*tuple(_d.values())))

</pallas_src>

<mosaic_0001>
#map = affine_map<(d0, d1) -> (0)>
#map1 = affine_map<(d0, d1) -> (0, 0)>
module attributes {stable_mosaic.version = 14 : i64} {
  func.func @_sc_body(%arg0: i32, %arg1: i32, %arg2: memref<16384xi32, #tpu.memory_space<hbm>>, %arg3: memref<16384xi32, #tpu.memory_space<hbm>>, %arg4: memref<327680xi32, #tpu.memory_space<hbm>>, %arg5: memref<1000000x64xf32, #tpu.memory_space<hbm>>, %arg6: memref<1000000x64xf32, #tpu.memory_space<hbm>>, %arg7: memref<16384xf32, #tpu.memory_space<hbm>>, %arg8: memref<327680xf32, #tpu.memory_space<hbm>>, %arg9: memref<512xi32, #tpu.memory_space<vmem>>, %arg10: memref<512xi32, #tpu.memory_space<vmem>>, %arg11: memref<10240xi32, #tpu.memory_space<vmem>>, %arg12: memref<512x64xf32, #tpu.memory_space<vmem>>, %arg13: memref<16x64xf32, #tpu.memory_space<vmem>>, %arg14: memref<320x64xf32, #tpu.memory_space<vmem>>, %arg15: memref<512xf32, #tpu.memory_space<vmem>>, %arg16: memref<10240xf32, #tpu.memory_space<vmem>>, %arg17: memref<!tpu.dma_semaphore, #tpu.memory_space<semaphore_mem>>) attributes {dimension_semantics = [#tpu.dimension_semantics<core_parallel>, #tpu.dimension_semantics<subcore_parallel>], iteration_bounds = array<i64: 2, 16>, scalar_prefetch = 0 : i64, scratch_operands = 9 : i64, tpu.core_type = #tpu.core_type<sc_vector_subcore>, window_params = [{transform_indices = #map}, {transform_indices = #map}, {transform_indices = #map}, {transform_indices = #map1}, {transform_indices = #map1}, {transform_indices = #map}, {transform_indices = #map}]} {
    %mul3A = arith.constant 2 : i32
    %mul3A_0 = arith.muli %arg1, %mul3A : i32
    %add3A = arith.addi %mul3A_0, %arg0 : i32
    %mul3A_1 = arith.constant 512 : i32
    %mul3A_2 = arith.muli %add3A, %mul3A_1 : i32
    %mul3A_3 = arith.constant 10240 : i32
    %mul3A_4 = arith.muli %add3A, %mul3A_3 : i32
    "tpu.region"() ({
      %run_scoped3A = tpu.sem_alloc : memref<!tpu.dma_semaphore, #tpu.memory_space<semaphore_mem>>
      %dma_start3A_73 = tpu.memref_slice %arg2[%mul3A_2] : memref<16384xi32, #tpu.memory_space<hbm>> -> memref<512xi32, #tpu.memory_space<hbm>>
      %dma_start3A_74 = tpu.memref_slice %arg2[%mul3A_2] : memref<16384xi32, #tpu.memory_space<hbm>> -> memref<512xi32, #tpu.memory_space<hbm>>
      tpu.enqueue_dma source(%dma_start3A_74 : memref<512xi32, #tpu.memory_space<hbm>>) target(%arg9 : memref<512xi32, #tpu.memory_space<vmem>>) target_semaphore(%run_scoped3A : memref<!tpu.dma_semaphore, #tpu.memory_space<semaphore_mem>>)
      %dma_wait3A_75 = tpu.memref_slice %arg2[%mul3A_2] : memref<16384xi32, #tpu.memory_space<hbm>> -> memref<512xi32, #tpu.memory_space<hbm>>
      %dma_wait3A_76 = tpu.memref_slice %arg2[%mul3A_2] : memref<16384xi32, #tpu.memory_space<hbm>> -> memref<512xi32, #tpu.memory_space<hbm>>
      tpu.wait_dma2 semaphore(%run_scoped3A : memref<!tpu.dma_semaphore, #tpu.memory_space<semaphore_mem>>) src(%dma_wait3A_76 : memref<512xi32, #tpu.memory_space<hbm>>) dst(%arg9 : memref<512xi32, #tpu.memory_space<vmem>>)
      tpu.yield
    }) : () -> ()
    "tpu.region"() ({
      %run_scoped3A = tpu.sem_alloc : memref<!tpu.dma_semaphore, #tpu.memory_space<semaphore_mem>>
      %dma_start3A_73 = tpu.memref_slice %arg3[%mul3A_2] : memref<16384xi32, #tpu.memory_space<hbm>> -> memref<512xi32, #tpu.memory_space<hbm>>
      %dma_start3A_74 = tpu.memref_slice %arg3[%mul3A_2] : memref<16384xi32, #tpu.memory_space<hbm>> -> memref<512xi32, #tpu.memory_space<hbm>>
      tpu.enqueue_dma source(%dma_start3A_74 : memref<512xi32, #tpu.memory_space<hbm>>) target(%arg10 : memref<512xi32, #tpu.memory_space<vmem>>) target_semaphore(%run_scoped3A : memref<!tpu.dma_semaphore, #tpu.memory_space<semaphore_mem>>)
      %dma_wait3A_75 = tpu.memref_slice %arg3[%mul3A_2] : memref<16384xi32, #tpu.memory_space<hbm>> -> memref<512xi32, #tpu.memory_space<hbm>>
      %dma_wait3A_76 = tpu.memref_slice %arg3[%mul3A_2] : memref<16384xi32, #tpu.memory_space<hbm>> -> memref<512xi32, #tpu.memory_space<hbm>>
      tpu.wait_dma2 semaphore(%run_scoped3A : memref<!tpu.dma_semaphore, #tpu.memory_space<semaphore_mem>>) src(%dma_wait3A_76 : memref<512xi32, #tpu.memory_space<hbm>>) dst(%arg10 : memref<512xi32, #tpu.memory_space<vmem>>)
      tpu.yield
    }) : () -> ()
    "tpu.region"() ({
      %run_scoped3A = tpu.sem_alloc : memref<!tpu.dma_semaphore, #tpu.memory_space<semaphore_mem>>
      %dma_start3A_73 = tpu.memref_slice %arg4[%mul3A_4] : memref<327680xi32, #tpu.memory_space<hbm>> -> memref<10240xi32, #tpu.memory_space<hbm>>
      %dma_start3A_74 = tpu.memref_slice %arg4[%mul3A_4] : memref<327680xi32, #tpu.memory_space<hbm>> -> memref<10240xi32, #tpu.memory_space<hbm>>
      tpu.enqueue_dma source(%dma_start3A_74 : memref<10240xi32, #tpu.memory_space<hbm>>) target(%arg11 : memref<10240xi32, #tpu.memory_space<vmem>>) target_semaphore(%run_scoped3A : memref<!tpu.dma_semaphore, #tpu.memory_space<semaphore_mem>>)
      %dma_wait3A_75 = tpu.memref_slice %arg4[%mul3A_4] : memref<327680xi32, #tpu.memory_space<hbm>> -> memref<10240xi32, #tpu.memory_space<hbm>>
      %dma_wait3A_76 = tpu.memref_slice %arg4[%mul3A_4] : memref<327680xi32, #tpu.memory_space<hbm>> -> memref<10240xi32, #tpu.memory_space<hbm>>
      tpu.wait_dma2 semaphore(%run_scoped3A : memref<!tpu.dma_semaphore, #tpu.memory_space<semaphore_mem>>) src(%dma_wait3A_76 : memref<10240xi32, #tpu.memory_space<hbm>>) dst(%arg11 : memref<10240xi32, #tpu.memory_space<vmem>>)
      tpu.yield
    }) : () -> ()
    %dma_start3A = arith.constant 0 : i32
    %dma_start3A_5 = arith.constant 0 : i32
    %dma_start3A_6 = tpu.memref_slice %arg12[%dma_start3A, %dma_start3A_5] : memref<512x64xf32, #tpu.memory_space<vmem>> -> memref<128x64xf32, #tpu.memory_space<vmem>>
    %dma_start3A_7 = arith.constant 0 : i32
    %dma_start3A_8 = tpu.memref_slice %arg9[%dma_start3A_7] : memref<512xi32, #tpu.memory_space<vmem>> -> memref<128xi32, #tpu.memory_space<vmem>>
    %dma_start3A_9 = arith.constant 0 : i32
    %dma_start3A_10 = arith.constant 0 : i32
    %dma_start3A_11 = tpu.memref_slice %arg5[%dma_start3A_9, %dma_start3A_10] : memref<1000000x64xf32, #tpu.memory_space<hbm>> -> memref<1000000x64xf32, #tpu.memory_space<hbm>>
    tpu.enqueue_indirect_dma source(%dma_start3A_11 : memref<1000000x64xf32, #tpu.memory_space<hbm>>) target(%dma_start3A_6 : memref<128x64xf32, #tpu.memory_space<vmem>>) offsets(%dma_start3A_8 : memref<128xi32, #tpu.memory_space<vmem>>) semaphore(%arg17 : memref<!tpu.dma_semaphore, #tpu.memory_space<semaphore_mem>>)
    %dma_start3A_12 = arith.constant 128 : i32
    %dma_start3A_13 = arith.constant 0 : i32
    %dma_start3A_14 = tpu.memref_slice %arg12[%dma_start3A_12, %dma_start3A_13] : memref<512x64xf32, #tpu.memory_space<vmem>> -> memref<128x64xf32, #tpu.memory_space<vmem>>
    %dma_start3A_15 = arith.constant 128 : i32
    %dma_start3A_16 = tpu.memref_slice %arg9[%dma_start3A_15] : memref<512xi32, #tpu.memory_space<vmem>> -> memref<128xi32, #tpu.memory_space<vmem>>
    %dma_start3A_17 = arith.constant 0 : i32
    %dma_start3A_18 = arith.constant 0 : i32
    %dma_start3A_19 = tpu.memref_slice %arg5[%dma_start3A_17, %dma_start3A_18] : memref<1000000x64xf32, #tpu.memory_space<hbm>> -> memref<1000000x64xf32, #tpu.memory_space<hbm>>
    tpu.enqueue_indirect_dma source(%dma_start3A_19 : memref<1000000x64xf32, #tpu.memory_space<hbm>>) target(%dma_start3A_14 : memref<128x64xf32, #tpu.memory_space<vmem>>) offsets(%dma_start3A_16 : memref<128xi32, #tpu.memory_space<vmem>>) semaphore(%arg17 : memref<!tpu.dma_semaphore, #tpu.memory_space<semaphore_mem>>)
    %dma_start3A_20 = arith.constant 256 : i32
    %dma_start3A_21 = arith.constant 0 : i32
    %dma_start3A_22 = tpu.memref_slice %arg12[%dma_start3A_20, %dma_start3A_21] : memref<512x64xf32, #tpu.memory_space<vmem>> -> memref<128x64xf32, #tpu.memory_space<vmem>>
    %dma_start3A_23 = arith.constant 256 : i32
    %dma_start3A_24 = tpu.memref_slice %arg9[%dma_start3A_23] : memref<512xi32, #tpu.memory_space<vmem>> -> memref<128xi32, #tpu.memory_space<vmem>>
    %dma_start3A_25 = arith.constant 0 : i32
    %dma_start3A_26 = arith.constant 0 : i32
    %dma_start3A_27 = tpu.memref_slice %arg5[%dma_start3A_25, %dma_start3A_26] : memref<1000000x64xf32, #tpu.memory_space<hbm>> -> memref<1000000x64xf32, #tpu.memory_space<hbm>>
    tpu.enqueue_indirect_dma source(%dma_start3A_27 : memref<1000000x64xf32, #tpu.memory_space<hbm>>) target(%dma_start3A_22 : memref<128x64xf32, #tpu.memory_space<vmem>>) offsets(%dma_start3A_24 : memref<128xi32, #tpu.memory_space<vmem>>) semaphore(%arg17 : memref<!tpu.dma_semaphore, #tpu.memory_space<semaphore_mem>>)
    %dma_start3A_28 = arith.constant 384 : i32
    %dma_start3A_29 = arith.constant 0 : i32
    %dma_start3A_30 = tpu.memref_slice %arg12[%dma_start3A_28, %dma_start3A_29] : memref<512x64xf32, #tpu.memory_space<vmem>> -> memref<128x64xf32, #tpu.memory_space<vmem>>
    %dma_start3A_31 = arith.constant 384 : i32
    %dma_start3A_32 = tpu.memref_slice %arg9[%dma_start3A_31] : memref<512xi32, #tpu.memory_space<vmem>> -> memref<128xi32, #tpu.memory_space<vmem>>
    %dma_start3A_33 = arith.constant 0 : i32
    %dma_start3A_34 = arith.constant 0 : i32
    %dma_start3A_35 = tpu.memref_slice %arg5[%dma_start3A_33, %dma_start3A_34] : memref<1000000x64xf32, #tpu.memory_space<hbm>> -> memref<1000000x64xf32, #tpu.memory_space<hbm>>
    tpu.enqueue_indirect_dma source(%dma_start3A_35 : memref<1000000x64xf32, #tpu.memory_space<hbm>>) target(%dma_start3A_30 : memref<128x64xf32, #tpu.memory_space<vmem>>) offsets(%dma_start3A_32 : memref<128xi32, #tpu.memory_space<vmem>>) semaphore(%arg17 : memref<!tpu.dma_semaphore, #tpu.memory_space<semaphore_mem>>)
    %dma_wait3A = arith.constant 0 : i32
    %dma_wait3A_36 = arith.constant 0 : i32
    %dma_wait3A_37 = tpu.memref_slice %arg12[%dma_wait3A, %dma_wait3A_36] : memref<512x64xf32, #tpu.memory_space<vmem>> -> memref<128x64xf32, #tpu.memory_space<vmem>>
    %dma_wait3A_38 = arith.constant 0 : i32
    %dma_wait3A_39 = tpu.memref_slice %arg9[%dma_wait3A_38] : memref<512xi32, #tpu.memory_space<vmem>> -> memref<128xi32, #tpu.memory_space<vmem>>
    %dma_wait3A_40 = arith.constant 0 : i32
    %dma_wait3A_41 = arith.constant 0 : i32
    %dma_wait3A_42 = tpu.memref_slice %arg5[%dma_wait3A_40, %dma_wait3A_41] : memref<1000000x64xf32, #tpu.memory_space<hbm>> -> memref<1000000x64xf32, #tpu.memory_space<hbm>>
    tpu.wait_indirect_dma semaphore(%arg17 : memref<!tpu.dma_semaphore, #tpu.memory_space<semaphore_mem>>) src(%dma_wait3A_42 : memref<1000000x64xf32, #tpu.memory_space<hbm>>) dst(%dma_wait3A_37 : memref<128x64xf32, #tpu.memory_space<vmem>>)
    %dma_wait3A_43 = arith.constant 128 : i32
    %dma_wait3A_44 = arith.constant 0 : i32
    %dma_wait3A_45 = tpu.memref_slice %arg12[%dma_wait3A_43, %dma_wait3A_44] : memref<512x64xf32, #tpu.memory_space<vmem>> -> memref<128x64xf32, #tpu.memory_space<vmem>>
    %dma_wait3A_46 = arith.constant 128 : i32
    %dma_wait3A_47 = tpu.memref_slice %arg9[%dma_wait3A_46] : memref<512xi32, #tpu.memory_space<vmem>> -> memref<128xi32, #tpu.memory_space<vmem>>
    %dma_wait3A_48 = arith.constant 0 : i32
    %dma_wait3A_49 = arith.constant 0 : i32
    %dma_wait3A_50 = tpu.memref_slice %arg5[%dma_wait3A_48, %dma_wait3A_49] : memref<1000000x64xf32, #tpu.memory_space<hbm>> -> memref<1000000x64xf32, #tpu.memory_space<hbm>>
    tpu.wait_indirect_dma semaphore(%arg17 : memref<!tpu.dma_semaphore, #tpu.memory_space<semaphore_mem>>) src(%dma_wait3A_50 : memref<1000000x64xf32, #tpu.memory_space<hbm>>) dst(%dma_wait3A_45 : memref<128x64xf32, #tpu.memory_space<vmem>>)
    %dma_wait3A_51 = arith.constant 256 : i32
    %dma_wait3A_52 = arith.constant 0 : i32
    %dma_wait3A_53 = tpu.memref_slice %arg12[%dma_wait3A_51, %dma_wait3A_52] : memref<512x64xf32, #tpu.memory_space<vmem>> -> memref<128x64xf32, #tpu.memory_space<vmem>>
    %dma_wait3A_54 = arith.constant 256 : i32
    %dma_wait3A_55 = tpu.memref_slice %arg9[%dma_wait3A_54] : memref<512xi32, #tpu.memory_space<vmem>> -> memref<128xi32, #tpu.memory_space<vmem>>
    %dma_wait3A_56 = arith.constant 0 : i32
    %dma_wait3A_57 = arith.constant 0 : i32
    %dma_wait3A_58 = tpu.memref_slice %arg5[%dma_wait3A_56, %dma_wait3A_57] : memref<1000000x64xf32, #tpu.memory_space<hbm>> -> memref<1000000x64xf32, #tpu.memory_space<hbm>>
    tpu.wait_indirect_dma semaphore(%arg17 : memref<!tpu.dma_semaphore, #tpu.memory_space<semaphore_mem>>) src(%dma_wait3A_58 : memref<1000000x64xf32, #tpu.memory_space<hbm>>) dst(%dma_wait3A_53 : memref<128x64xf32, #tpu.memory_space<vmem>>)
    %dma_wait3A_59 = arith.constant 384 : i32
    %dma_wait3A_60 = arith.constant 0 : i32
    %dma_wait3A_61 = tpu.memref_slice %arg12[%dma_wait3A_59, %dma_wait3A_60] : memref<512x64xf32, #tpu.memory_space<vmem>> -> memref<128x64xf32, #tpu.memory_space<vmem>>
    %dma_wait3A_62 = arith.constant 384 : i32
    %dma_wait3A_63 = tpu.memref_slice %arg9[%dma_wait3A_62] : memref<512xi32, #tpu.memory_space<vmem>> -> memref<128xi32, #tpu.memory_space<vmem>>
    %dma_wait3A_64 = arith.constant 0 : i32
    %dma_wait3A_65 = arith.constant 0 : i32
    %dma_wait3A_66 = tpu.memref_slice %arg5[%dma_wait3A_64, %dma_wait3A_65] : memref<1000000x64xf32, #tpu.memory_space<hbm>> -> memref<1000000x64xf32, #tpu.memory_space<hbm>>
    tpu.wait_indirect_dma semaphore(%arg17 : memref<!tpu.dma_semaphore, #tpu.memory_space<semaphore_mem>>) src(%dma_wait3A_66 : memref<1000000x64xf32, #tpu.memory_space<hbm>>) dst(%dma_wait3A_61 : memref<128x64xf32, #tpu.memory_space<vmem>>)
    %scan3A = arith.constant 0 : i32
    %scan3A_67 = arith.constant 0 : i32
    %scan3A_68 = arith.constant 32 : i32
    %scan3A_69 = arith.addi %scan3A_67, %scan3A_68 : i32
    %scan3A_70 = arith.constant 1 : i32
    %scan3A_71 = scf.for %scan3A_73 = %scan3A_67 to %scan3A_69 step %scan3A_70 iter_args(%scan3A_74 = %scan3A) -> (i32)  : i32 {
      %mul3A_75 = arith.constant 16 : i32
      %mul3A_76 = arith.muli %scan3A_73, %mul3A_75 : i32
      %mul3A_77 = arith.constant 320 : i32
      %mul3A_78 = arith.muli %scan3A_73, %mul3A_77 : i32
      %dma_start3A_79 = tpu.memref_slice %arg10[%mul3A_76] : memref<512xi32, #tpu.memory_space<vmem>> -> memref<16xi32, #tpu.memory_space<vmem>>
      %dma_start3A_80 = arith.constant 0 : i32
      %dma_start3A_81 = arith.constant 0 : i32
      %dma_start3A_82 = tpu.memref_slice %arg6[%dma_start3A_80, %dma_start3A_81] : memref<1000000x64xf32, #tpu.memory_space<hbm>> -> memref<1000000x64xf32, #tpu.memory_space<hbm>>
      tpu.enqueue_indirect_dma source(%dma_start3A_82 : memref<1000000x64xf32, #tpu.memory_space<hbm>>) target(%arg13 : memref<16x64xf32, #tpu.memory_space<vmem>>) offsets(%dma_start3A_79 : memref<16xi32, #tpu.memory_space<vmem>>) semaphore(%arg17 : memref<!tpu.dma_semaphore, #tpu.memory_space<semaphore_mem>>)
      %add3A_83 = arith.constant 0 : i32
      %add3A_84 = arith.addi %mul3A_78, %add3A_83 : i32
      %dma_start3A_85 = arith.constant 0 : i32
      %dma_start3A_86 = arith.constant 0 : i32
      %dma_start3A_87 = tpu.memref_slice %arg14[%dma_start3A_85, %dma_start3A_86] : memref<320x64xf32, #tpu.memory_space<vmem>> -> memref<128x64xf32, #tpu.memory_space<vmem>>
      %dma_start3A_88 = tpu.memref_slice %arg11[%add3A_84] : memref<10240xi32, #tpu.memory_space<vmem>> -> memref<128xi32, #tpu.memory_space<vmem>>
      %dma_start3A_89 = arith.constant 0 : i32
      %dma_start3A_90 = arith.constant 0 : i32
      %dma_start3A_91 = tpu.memref_slice %arg6[%dma_start3A_89, %dma_start3A_90] : memref<1000000x64xf32, #tpu.memory_space<hbm>> -> memref<1000000x64xf32, #tpu.memory_space<hbm>>
      tpu.enqueue_indirect_dma source(%dma_start3A_91 : memref<1000000x64xf32, #tpu.memory_space<hbm>>) target(%dma_start3A_87 : memref<128x64xf32, #tpu.memory_space<vmem>>) offsets(%dma_start3A_88 : memref<128xi32, #tpu.memory_space<vmem>>) semaphore(%arg17 : memref<!tpu.dma_semaphore, #tpu.memory_space<semaphore_mem>>)
      %add3A_92 = arith.constant 128 : i32
      %add3A_93 = arith.addi %mul3A_78, %add3A_92 : i32
      %dma_start3A_94 = arith.constant 128 : i32
      %dma_start3A_95 = arith.constant 0 : i32
      %dma_start3A_96 = tpu.memref_slice %arg14[%dma_start3A_94, %dma_start3A_95] : memref<320x64xf32, #tpu.memory_space<vmem>> -> memref<128x64xf32, #tpu.memory_space<vmem>>
      %dma_start3A_97 = tpu.memref_slice %arg11[%add3A_93] : memref<10240xi32, #tpu.memory_space<vmem>> -> memref<128xi32, #tpu.memory_space<vmem>>
      %dma_start3A_98 = arith.constant 0 : i32
      %dma_start3A_99 = arith.constant 0 : i32
      %dma_start3A_100 = tpu.memref_slice %arg6[%dma_start3A_98, %dma_start3A_99] : memref<1000000x64xf32, #tpu.memory_space<hbm>> -> memref<1000000x64xf32, #tpu.memory_space<hbm>>
      tpu.enqueue_indirect_dma source(%dma_start3A_100 : memref<1000000x64xf32, #tpu.memory_space<hbm>>) target(%dma_start3A_96 : memref<128x64xf32, #tpu.memory_space<vmem>>) offsets(%dma_start3A_97 : memref<128xi32, #tpu.memory_space<vmem>>) semaphore(%arg17 : memref<!tpu.dma_semaphore, #tpu.memory_space<semaphore_mem>>)
      %add3A_101 = arith.constant 256 : i32
      %add3A_102 = arith.addi %mul3A_78, %add3A_101 : i32
      %dma_start3A_103 = arith.constant 256 : i32
      %dma_start3A_104 = arith.constant 0 : i32
      %dma_start3A_105 = tpu.memref_slice %arg14[%dma_start3A_103, %dma_start3A_104] : memref<320x64xf32, #tpu.memory_space<vmem>> -> memref<64x64xf32, #tpu.memory_space<vmem>>
      %dma_start3A_106 = tpu.memref_slice %arg11[%add3A_102] : memref<10240xi32, #tpu.memory_space<vmem>> -> memref<64xi32, #tpu.memory_space<vmem>>
      %dma_start3A_107 = arith.constant 0 : i32
      %dma_start3A_108 = arith.constant 0 : i32
      %dma_start3A_109 = tpu.memref_slice %arg6[%dma_start3A_107, %dma_start3A_108] : memref<1000000x64xf32, #tpu.memory_space<hbm>> -> memref<1000000x64xf32, #tpu.memory_space<hbm>>
      tpu.enqueue_indirect_dma source(%dma_start3A_109 : memref<1000000x64xf32, #tpu.memory_space<hbm>>) target(%dma_start3A_105 : memref<64x64xf32, #tpu.memory_space<vmem>>) offsets(%dma_start3A_106 : memref<64xi32, #tpu.memory_space<vmem>>) semaphore(%arg17 : memref<!tpu.dma_semaphore, #tpu.memory_space<semaphore_mem>>)
      %dma_wait3A_110 = tpu.memref_slice %arg10[%mul3A_76] : memref<512xi32, #tpu.memory_space<vmem>> -> memref<16xi32, #tpu.memory_space<vmem>>
      %dma_wait3A_111 = arith.constant 0 : i32
      %dma_wait3A_112 = arith.constant 0 : i32
      %dma_wait3A_113 = tpu.memref_slice %arg6[%dma_wait3A_111, %dma_wait3A_112] : memref<1000000x64xf32, #tpu.memory_space<hbm>> -> memref<1000000x64xf32, #tpu.memory_space<hbm>>
      tpu.wait_indirect_dma semaphore(%arg17 : memref<!tpu.dma_semaphore, #tpu.memory_space<semaphore_mem>>) src(%dma_wait3A_113 : memref<1000000x64xf32, #tpu.memory_space<hbm>>) dst(%arg13 : memref<16x64xf32, #tpu.memory_space<vmem>>)
      %dma_wait3A_114 = arith.constant 0 : i32
      %dma_wait3A_115 = arith.constant 0 : i32
      %dma_wait3A_116 = tpu.memref_slice %arg14[%dma_wait3A_114, %dma_wait3A_115] : memref<320x64xf32, #tpu.memory_space<vmem>> -> memref<128x64xf32, #tpu.memory_space<vmem>>
      %dma_wait3A_117 = tpu.memref_slice %arg11[%add3A_84] : memref<10240xi32, #tpu.memory_space<vmem>> -> memref<128xi32, #tpu.memory_space<vmem>>
      %dma_wait3A_118 = arith.constant 0 : i32
      %dma_wait3A_119 = arith.constant 0 : i32
      %dma_wait3A_120 = tpu.memref_slice %arg6[%dma_wait3A_118, %dma_wait3A_119] : memref<1000000x64xf32, #tpu.memory_space<hbm>> -> memref<1000000x64xf32, #tpu.memory_space<hbm>>
      tpu.wait_indirect_dma semaphore(%arg17 : memref<!tpu.dma_semaphore, #tpu.memory_space<semaphore_mem>>) src(%dma_wait3A_120 : memref<1000000x64xf32, #tpu.memory_space<hbm>>) dst(%dma_wait3A_116 : memref<128x64xf32, #tpu.memory_space<vmem>>)
      %dma_wait3A_121 = arith.constant 128 : i32
      %dma_wait3A_122 = arith.constant 0 : i32
      %dma_wait3A_123 = tpu.memref_slice %arg14[%dma_wait3A_121, %dma_wait3A_122] : memref<320x64xf32, #tpu.memory_space<vmem>> -> memref<128x64xf32, #tpu.memory_space<vmem>>
      %dma_wait3A_124 = tpu.memref_slice %arg11[%add3A_93] : memref<10240xi32, #tpu.memory_space<vmem>> -> memref<128xi32, #tpu.memory_space<vmem>>
      %dma_wait3A_125 = arith.constant 0 : i32
      %dma_wait3A_126 = arith.constant 0 : i32
      %dma_wait3A_127 = tpu.memref_slice %arg6[%dma_wait3A_125, %dma_wait3A_126] : memref<1000000x64xf32, #tpu.memory_space<hbm>> -> memref<1000000x64xf32, #tpu.memory_space<hbm>>
      tpu.wait_indirect_dma semaphore(%arg17 : memref<!tpu.dma_semaphore, #tpu.memory_space<semaphore_mem>>) src(%dma_wait3A_127 : memref<1000000x64xf32, #tpu.memory_space<hbm>>) dst(%dma_wait3A_123 : memref<128x64xf32, #tpu.memory_space<vmem>>)
      %dma_wait3A_128 = arith.constant 256 : i32
      %dma_wait3A_129 = arith.constant 0 : i32
      %dma_wait3A_130 = tpu.memref_slice %arg14[%dma_wait3A_128, %dma_wait3A_129] : memref<320x64xf32, #tpu.memory_space<vmem>> -> memref<64x64xf32, #tpu.memory_space<vmem>>
      %dma_wait3A_131 = tpu.memref_slice %arg11[%add3A_102] : memref<10240xi32, #tpu.memory_space<vmem>> -> memref<64xi32, #tpu.memory_space<vmem>>
      %dma_wait3A_132 = arith.constant 0 : i32
      %dma_wait3A_133 = arith.constant 0 : i32
      %dma_wait3A_134 = tpu.memref_slice %arg6[%dma_wait3A_132, %dma_wait3A_133] : memref<1000000x64xf32, #tpu.memory_space<hbm>> -> memref<1000000x64xf32, #tpu.memory_space<hbm>>
      tpu.wait_indirect_dma semaphore(%arg17 : memref<!tpu.dma_semaphore, #tpu.memory_space<semaphore_mem>>) src(%dma_wait3A_134 : memref<1000000x64xf32, #tpu.memory_space<hbm>>) dst(%dma_wait3A_130 : memref<64x64xf32, #tpu.memory_space<vmem>>)
      %iota3A = tpu.iota {dimensions = array<i32: 0>} : vector<16xi32>
      %broadcast_in_dim3A = arith.constant 0.000000e+00 : f32
      %broadcast_in_dim3A_135 = vector.broadcast %broadcast_in_dim3A : f32 to vector<16xf32>
      %scan3A_136 = arith.constant 0 : i32
      %scan3A_137 = arith.constant 16 : i32
      %scan3A_138 = arith.addi %scan3A_136, %scan3A_137 : i32
      %scan3A_139 = arith.constant 1 : i32
      %scan3A_140 = scf.for %scan3A_144 = %scan3A_136 to %scan3A_138 step %scan3A_139 iter_args(%scan3A_145 = %broadcast_in_dim3A_135) -> (vector<16xf32>)  : i32 {
        %add3A_146 = arith.addi %mul3A_76, %scan3A_144 : i32
        %eq3A = vector.broadcast %scan3A_144 : i32 to vector<16xi32>
        %eq3A_147 = arith.cmpi eq, %iota3A, %eq3A : vector<16xi32>
        %get3A = arith.index_cast %add3A_146 : i32 to index
        %get3A_148 = arith.constant 0 : index
        %get3A_149 = tpu.vector_load %arg12[%get3A, %get3A_148] {strides = array<i32>} : memref<512x64xf32, #tpu.memory_space<vmem>>, vector<16xf32>,
        %get3A_150 = arith.index_cast %scan3A_144 : i32 to index
        %get3A_151 = arith.constant 0 : index
        %get3A_152 = tpu.vector_load %arg13[%get3A_150, %get3A_151] {strides = array<i32>} : memref<16x64xf32, #tpu.memory_space<vmem>>, vector<16xf32>,
        %mul3A_153 = arith.mulf %get3A_149, %get3A_152 : vector<16xf32>
        %get3A_154 = arith.index_cast %add3A_146 : i32 to index
        %get3A_155 = arith.constant 16 : index
        %get3A_156 = tpu.vector_load %arg12[%get3A_154, %get3A_155] {strides = array<i32>} : memref<512x64xf32, #tpu.memory_space<vmem>>, vector<16xf32>,
        %get3A_157 = arith.index_cast %scan3A_144 : i32 to index
        %get3A_158 = arith.constant 16 : index
        %get3A_159 = tpu.vector_load %arg13[%get3A_157, %get3A_158] {strides = array<i32>} : memref<16x64xf32, #tpu.memory_space<vmem>>, vector<16xf32>,
        %mul3A_160 = arith.mulf %get3A_156, %get3A_159 : vector<16xf32>
        %add3A_161 = arith.addf %mul3A_153, %mul3A_160 : vector<16xf32>
        %get3A_162 = arith.index_cast %add3A_146 : i32 to index
        %get3A_163 = arith.constant 32 : index
        %get3A_164 = tpu.vector_load %arg12[%get3A_162, %get3A_163] {strides = array<i32>} : memref<512x64xf32, #tpu.memory_space<vmem>>, vector<16xf32>,
        %get3A_165 = arith.index_cast %scan3A_144 : i32 to index
        %get3A_166 = arith.constant 32 : index
        %get3A_167 = tpu.vector_load %arg13[%get3A_165, %get3A_166] {strides = array<i32>} : memref<16x64xf32, #tpu.memory_space<vmem>>, vector<16xf32>,
        %mul3A_168 = arith.mulf %get3A_164, %get3A_167 : vector<16xf32>
        %add3A_169 = arith.addf %add3A_161, %mul3A_168 : vector<16xf32>
        %get3A_170 = arith.index_cast %add3A_146 : i32 to index
        %get3A_171 = arith.constant 48 : index
        %get3A_172 = tpu.vector_load %arg12[%get3A_170, %get3A_171] {strides = array<i32>} : memref<512x64xf32, #tpu.memory_space<vmem>>, vector<16xf32>,
        %get3A_173 = arith.index_cast %scan3A_144 : i32 to index
        %get3A_174 = arith.constant 48 : index
        %get3A_175 = tpu.vector_load %arg13[%get3A_173, %get3A_174] {strides = array<i32>} : memref<16x64xf32, #tpu.memory_space<vmem>>, vector<16xf32>,
        %mul3A_176 = arith.mulf %get3A_172, %get3A_175 : vector<16xf32>
        %add3A_177 = arith.addf %add3A_169, %mul3A_176 : vector<16xf32>
        %reduce_sum3A = arith.constant true
        %reduce_sum3A_178 = vector.broadcast %reduce_sum3A : i1 to vector<16xi1>
        %reduce_sum3A_179 = tpu.scan <sum>, %add3A_177 masked %reduce_sum3A_178 : vector<16xf32>, vector<16xi1> -> vector<16xf32>
        %reduce_sum3A_180 = vector.extract %reduce_sum3A_179[15] : f32 from vector<16xf32>
        %broadcast_in_dim3A_181 = vector.broadcast %reduce_sum3A_180 : f32 to vector<16xf32>
        %select_n3A = arith.select %eq3A_147, %broadcast_in_dim3A_181, %scan3A_145 : vector<16xi1>, vector<16xf32>
        %broadcast_in_dim3A_182 = arith.constant 0.000000e+00 : f32
        %broadcast_in_dim3A_183 = vector.broadcast %broadcast_in_dim3A_182 : f32 to vector<16xf32>
        %broadcast_in_dim3A_184 = arith.constant 0.000000e+00 : f32
        %broadcast_in_dim3A_185 = vector.broadcast %broadcast_in_dim3A_184 : f32 to vector<16xf32>
        %eq3A_186 = arith.constant 0 : i32
        %eq3A_187 = vector.broadcast %eq3A_186 : i32 to vector<16xi32>
        %eq3A_188 = arith.cmpi eq, %iota3A, %eq3A_187 : vector<16xi32>
        %mul3A_189 = arith.constant 20 : i32
        %mul3A_190 = arith.muli %scan3A_144, %mul3A_189 : i32
        %add3A_191 = arith.constant 0 : i32
        %add3A_192 = arith.addi %mul3A_190, %add3A_191 : i32
        %get3A_193 = arith.index_cast %add3A_146 : i32 to index
        %get3A_194 = arith.constant 0 : index
        %get3A_195 = tpu.vector_load %arg12[%get3A_193, %get3A_194] {strides = array<i32>} : memref<512x64xf32, #tpu.memory_space<vmem>>, vector<16xf32>,
        %get3A_196 = arith.index_cast %add3A_192 : i32 to index
        %get3A_197 = arith.constant 0 : index
        %get3A_198 = tpu.vector_load %arg14[%get3A_196, %get3A_197] {strides = array<i32>} : memref<320x64xf32, #tpu.memory_space<vmem>>, vector<16xf32>,
        %mul3A_199 = arith.mulf %get3A_195, %get3A_198 : vector<16xf32>
        %get3A_200 = arith.index_cast %add3A_146 : i32 to index
        %get3A_201 = arith.constant 16 : index
        %get3A_202 = tpu.vector_load %arg12[%get3A_200, %get3A_201] {strides = array<i32>} : memref<512x64xf32, #tpu.memory_space<vmem>>, vector<16xf32>,
        %get3A_203 = arith.index_cast %add3A_192 : i32 to index
        %get3A_204 = arith.constant 16 : index
        %get3A_205 = tpu.vector_load %arg14[%get3A_203, %get3A_204] {strides = array<i32>} : memref<320x64xf32, #tpu.memory_space<vmem>>, vector<16xf32>,
        %mul3A_206 = arith.mulf %get3A_202, %get3A_205 : vector<16xf32>
        %add3A_207 = arith.addf %mul3A_199, %mul3A_206 : vector<16xf32>
        %get3A_208 = arith.index_cast %add3A_146 : i32 to index
        %get3A_209 = arith.constant 32 : index
        %get3A_210 = tpu.vector_load %arg12[%get3A_208, %get3A_209] {strides = array<i32>} : memref<512x64xf32, #tpu.memory_space<vmem>>, vector<16xf32>,
        %get3A_211 = arith.index_cast %add3A_192 : i32 to index
        %get3A_212 = arith.constant 32 : index
        %get3A_213 = tpu.vector_load %arg14[%get3A_211, %get3A_212] {strides = array<i32>} : memref<320x64xf32, #tpu.memory_space<vmem>>, vector<16xf32>,
        %mul3A_214 = arith.mulf %get3A_210, %get3A_213 : vector<16xf32>
        %add3A_215 = arith.addf %add3A_207, %mul3A_214 : vector<16xf32>
        %get3A_216 = arith.index_cast %add3A_146 : i32 to index
        %get3A_217 = arith.constant 48 : index
        %get3A_218 = tpu.vector_load %arg12[%get3A_216, %get3A_217] {strides = array<i32>} : memref<512x64xf32, #tpu.memory_space<vmem>>, vector<16xf32>,
        %get3A_219 = arith.index_cast %add3A_192 : i32 to index
        %get3A_220 = arith.constant 48 : index
        %get3A_221 = tpu.vector_load %arg14[%get3A_219, %get3A_220] {strides = array<i32>} : memref<320x64xf32, #tpu.memory_space<vmem>>, vector<16xf32>,
        %mul3A_222 = arith.mulf %get3A_218, %get3A_221 : vector<16xf32>
        %add3A_223 = arith.addf %add3A_215, %mul3A_222 : vector<16xf32>
        %reduce_sum3A_224 = arith.constant true
        %reduce_sum3A_225 = vector.broadcast %reduce_sum3A_224 : i1 to vector<16xi1>
        %reduce_sum3A_226 = tpu.scan <sum>, %add3A_223 masked %reduce_sum3A_225 : vector<16xf32>, vector<16xi1> -> vector<16xf32>
        %reduce_sum3A_227 = vector.extract %reduce_sum3A_226[15] : f32 from vector<16xf32>
        %broadcast_in_dim3A_228 = vector.broadcast %reduce_sum3A_227 : f32 to vector<16xf32>
        %select_n3A_229 = arith.select %eq3A_188, %broadcast_in_dim3A_228, %broadcast_in_dim3A_183 : vector<16xi1>, vector<16xf32>
        %eq3A_230 = arith.constant 1 : i32
        %eq3A_231 = vector.broadcast %eq3A_230 : i32 to vector<16xi32>
        %eq3A_232 = arith.cmpi eq, %iota3A, %eq3A_231 : vector<16xi32>
        %mul3A_233 = arith.constant 20 : i32
        %mul3A_234 = arith.muli %scan3A_144, %mul3A_233 : i32
        %add3A_235 = arith.constant 1 : i32
        %add3A_236 = arith.addi %mul3A_234, %add3A_235 : i32
        %get3A_237 = arith.index_cast %add3A_146 : i32 to index
        %get3A_238 = arith.constant 0 : index
        %get3A_239 = tpu.vector_load %arg12[%get3A_237, %get3A_238] {strides = array<i32>} : memref<512x64xf32, #tpu.memory_space<vmem>>, vector<16xf32>,
        %get3A_240 = arith.index_cast %add3A_236 : i32 to index
        %get3A_241 = arith.constant 0 : index
        %get3A_242 = tpu.vector_load %arg14[%get3A_240, %get3A_241] {strides = array<i32>} : memref<320x64xf32, #tpu.memory_space<vmem>>, vector<16xf32>,
        %mul3A_243 = arith.mulf %get3A_239, %get3A_242 : vector<16xf32>
        %get3A_244 = arith.index_cast %add3A_146 : i32 to index
        %get3A_245 = arith.constant 16 : index
        %get3A_246 = tpu.vector_load %arg12[%get3A_244, %get3A_245] {strides = array<i32>} : memref<512x64xf32, #tpu.memory_space<vmem>>, vector<16xf32>,
        %get3A_247 = arith.index_cast %add3A_236 : i32 to index
        %get3A_248 = arith.constant 16 : index
        %get3A_249 = tpu.vector_load %arg14[%get3A_247, %get3A_248] {strides = array<i32>} : memref<320x64xf32, #tpu.memory_space<vmem>>, vector<16xf32>,
        %mul3A_250 = arith.mulf %get3A_246, %get3A_249 : vector<16xf32>
        %add3A_251 = arith.addf %mul3A_243, %mul3A_250 : vector<16xf32>
        %get3A_252 = arith.index_cast %add3A_146 : i32 to index
        %get3A_253 = arith.constant 32 : index
        %get3A_254 = tpu.vector_load %arg12[%get3A_252, %get3A_253] {strides = array<i32>} : memref<512x64xf32, #tpu.memory_space<vmem>>, vector<16xf32>,
        %get3A_255 = arith.index_cast %add3A_236 : i32 to index
        %get3A_256 = arith.constant 32 : index
        %get3A_257 = tpu.vector_load %arg14[%get3A_255, %get3A_256] {strides = array<i32>} : memref<320x64xf32, #tpu.memory_space<vmem>>, vector<16xf32>,
        %mul3A_258 = arith.mulf %get3A_254, %get3A_257 : vector<16xf32>
        %add3A_259 = arith.addf %add3A_251, %mul3A_258 : vector<16xf32>
        %get3A_260 = arith.index_cast %add3A_146 : i32 to index
        %get3A_261 = arith.constant 48 : index
        %get3A_262 = tpu.vector_load %arg12[%get3A_260, %get3A_261] {strides = array<i32>} : memref<512x64xf32, #tpu.memory_space<vmem>>, vector<16xf32>,
        %get3A_263 = arith.index_cast %add3A_236 : i32 to index
        %get3A_264 = arith.constant 48 : index
        %get3A_265 = tpu.vector_load %arg14[%get3A_263, %get3A_264] {strides = array<i32>} : memref<320x64xf32, #tpu.memory_space<vmem>>, vector<16xf32>,
        %mul3A_266 = arith.mulf %get3A_262, %get3A_265 : vector<16xf32>
        %add3A_267 = arith.addf %add3A_259, %mul3A_266 : vector<16xf32>
        %reduce_sum3A_268 = arith.constant true
        %reduce_sum3A_269 = vector.broadcast %reduce_sum3A_268 : i1 to vector<16xi1>
        %reduce_sum3A_270 = tpu.scan <sum>, %add3A_267 masked %reduce_sum3A_269 : vector<16xf32>, vector<16xi1> -> vector<16xf32>
        %reduce_sum3A_271 = vector.extract %reduce_sum3A_270[15] : f32 from vector<16xf32>
        %broadcast_in_dim3A_272 = vector.broadcast %reduce_sum3A_271 : f32 to vector<16xf32>
        %select_n3A_273 = arith.select %eq3A_232, %broadcast_in_dim3A_272, %select_n3A_229 : vector<16xi1>, vector<16xf32>
        %eq3A_274 = arith.constant 2 : i32
        %eq3A_275 = vector.broadcast %eq3A_274 : i32 to vector<16xi32>
        %eq3A_276 = arith.cmpi eq, %iota3A, %eq3A_275 : vector<16xi32>
        %mul3A_277 = arith.constant 20 : i32
        %mul3A_278 = arith.muli %scan3A_144, %mul3A_277 : i32
        %add3A_279 = arith.constant 2 : i32
        %add3A_280 = arith.addi %mul3A_278, %add3A_279 : i32
        %get3A_281 = arith.index_cast %add3A_146 : i32 to index
        %get3A_282 = arith.constant 0 : index
        %get3A_283 = tpu.vector_load %arg12[%get3A_281, %get3A_282] {strides = array<i32>} : memref<512x64xf32, #tpu.memory_space<vmem>>, vector<16xf32>,
        %get3A_284 = arith.index_cast %add3A_280 : i32 to index
        %get3A_285 = arith.constant 0 : index
        %get3A_286 = tpu.vector_load %arg14[%get3A_284, %get3A_285] {strides = array<i32>} : memref<320x64xf32, #tpu.memory_space<vmem>>, vector<16xf32>,
        %mul3A_287 = arith.mulf %get3A_283, %get3A_286 : vector<16xf32>
        %get3A_288 = arith.index_cast %add3A_146 : i32 to index
        %get3A_289 = arith.constant 16 : index
        %get3A_290 = tpu.vector_load %arg12[%get3A_288, %get3A_289] {strides = array<i32>} : memref<512x64xf32, #tpu.memory_space<vmem>>, vector<16xf32>,
        %get3A_291 = arith.index_cast %add3A_280 : i32 to index
        %get3A_292 = arith.constant 16 : index
        %get3A_293 = tpu.vector_load %arg14[%get3A_291, %get3A_292] {strides = array<i32>} : memref<320x64xf32, #tpu.memory_space<vmem>>, vector<16xf32>,
        %mul3A_294 = arith.mulf %get3A_290, %get3A_293 : vector<16xf32>
        %add3A_295 = arith.addf %mul3A_287, %mul3A_294 : vector<16xf32>
        %get3A_296 = arith.index_cast %add3A_146 : i32 to index
        %get3A_297 = arith.constant 32 : index
        %get3A_298 = tpu.vector_load %arg12[%get3A_296, %get3A_297] {strides = array<i32>} : memref<512x64xf32, #tpu.memory_space<vmem>>, vector<16xf32>,
        %get3A_299 = arith.index_cast %add3A_280 : i32 to index
        %get3A_300 = arith.constant 32 : index
        %get3A_301 = tpu.vector_load %arg14[%get3A_299, %get3A_300] {strides = array<i32>} : memref<320x64xf32, #tpu.memory_space<vmem>>, vector<16xf32>,
        %mul3A_302 = arith.mulf %get3A_298, %get3A_301 : vector<16xf32>
        %add3A_303 = arith.addf %add3A_295, %mul3A_302 : vector<16xf32>
        %get3A_304 = arith.index_cast %add3A_146 : i32 to index
        %get3A_305 = arith.constant 48 : index
        %get3A_306 = tpu.vector_load %arg12[%get3A_304, %get3A_305] {strides = array<i32>} : memref<512x64xf32, #tpu.memory_space<vmem>>, vector<16xf32>,
        %get3A_307 = arith.index_cast %add3A_280 : i32 to index
        %get3A_308 = arith.constant 48 : index
        %get3A_309 = tpu.vector_load %arg14[%get3A_307, %get3A_308] {strides = array<i32>} : memref<320x64xf32, #tpu.memory_space<vmem>>, vector<16xf32>,
        %mul3A_310 = arith.mulf %get3A_306, %get3A_309 : vector<16xf32>
        %add3A_311 = arith.addf %add3A_303, %mul3A_310 : vector<16xf32>
        %reduce_sum3A_312 = arith.constant true
        %reduce_sum3A_313 = vector.broadcast %reduce_sum3A_312 : i1 to vector<16xi1>
        %reduce_sum3A_314 = tpu.scan <sum>, %add3A_311 masked %reduce_sum3A_313 : vector<16xf32>, vector<16xi1> -> vector<16xf32>
        %reduce_sum3A_315 = vector.extract %reduce_sum3A_314[15] : f32 from vector<16xf32>
        %broadcast_in_dim3A_316 = vector.broadcast %reduce_sum3A_315 : f32 to vector<16xf32>
        %select_n3A_317 = arith.select %eq3A_276, %broadcast_in_dim3A_316, %select_n3A_273 : vector<16xi1>, vector<16xf32>
        %eq3A_318 = arith.constant 3 : i32
        %eq3A_319 = vector.broadcast %eq3A_318 : i32 to vector<16xi32>
        %eq3A_320 = arith.cmpi eq, %iota3A, %eq3A_319 : vector<16xi32>
        %mul3A_321 = arith.constant 20 : i32
        %mul3A_322 = arith.muli %scan3A_144, %mul3A_321 : i32
        %add3A_323 = arith.constant 3 : i32
        %add3A_324 = arith.addi %mul3A_322, %add3A_323 : i32
        %get3A_325 = arith.index_cast %add3A_146 : i32 to index
        %get3A_326 = arith.constant 0 : index
        %get3A_327 = tpu.vector_load %arg12[%get3A_325, %get3A_326] {strides = array<i32>} : memref<512x64xf32, #tpu.memory_space<vmem>>, vector<16xf32>,
        %get3A_328 = arith.index_cast %add3A_324 : i32 to index
        %get3A_329 = arith.constant 0 : index
        %get3A_330 = tpu.vector_load %arg14[%get3A_328, %get3A_329] {strides = array<i32>} : memref<320x64xf32, #tpu.memory_space<vmem>>, vector<16xf32>,
        %mul3A_331 = arith.mulf %get3A_327, %get3A_330 : vector<16xf32>
        %get3A_332 = arith.index_cast %add3A_146 : i32 to index
        %get3A_333 = arith.constant 16 : index
        %get3A_334 = tpu.vector_load %arg12[%get3A_332, %get3A_333] {strides = array<i32>} : memref<512x64xf32, #tpu.memory_space<vmem>>, vector<16xf32>,
        %get3A_335 = arith.index_cast %add3A_324 : i32 to index
        %get3A_336 = arith.constant 16 : index
        %get3A_337 = tpu.vector_load %arg14[%get3A_335, %get3A_336] {strides = array<i32>} : memref<320x64xf32, #tpu.memory_space<vmem>>, vector<16xf32>,
        %mul3A_338 = arith.mulf %get3A_334, %get3A_337 : vector<16xf32>
        %add3A_339 = arith.addf %mul3A_331, %mul3A_338 : vector<16xf32>
        %get3A_340 = arith.index_cast %add3A_146 : i32 to index
        %get3A_341 = arith.constant 32 : index
        %get3A_342 = tpu.vector_load %arg12[%get3A_340, %get3A_341] {strides = array<i32>} : memref<512x64xf32, #tpu.memory_space<vmem>>, vector<16xf32>,
        %get3A_343 = arith.index_cast %add3A_324 : i32 to index
        %get3A_344 = arith.constant 32 : index
        %get3A_345 = tpu.vector_load %arg14[%get3A_343, %get3A_344] {strides = array<i32>} : memref<320x64xf32, #tpu.memory_space<vmem>>, vector<16xf32>,
        %mul3A_346 = arith.mulf %get3A_342, %get3A_345 : vector<16xf32>
        %add3A_347 = arith.addf %add3A_339, %mul3A_346 : vector<16xf32>
        %get3A_348 = arith.index_cast %add3A_146 : i32 to index
        %get3A_349 = arith.constant 48 : index
        %get3A_350 = tpu.vector_load %arg12[%get3A_348, %get3A_349] {strides = array<i32>} : memref<512x64xf32, #tpu.memory_space<vmem>>, vector<16xf32>,
        %get3A_351 = arith.index_cast %add3A_324 : i32 to index
        %get3A_352 = arith.constant 48 : index
        %get3A_353 = tpu.vector_load %arg14[%get3A_351, %get3A_352] {strides = array<i32>} : memref<320x64xf32, #tpu.memory_space<vmem>>, vector<16xf32>,
        %mul3A_354 = arith.mulf %get3A_350, %get3A_353 : vector<16xf32>
        %add3A_355 = arith.addf %add3A_347, %mul3A_354 : vector<16xf32>
        %reduce_sum3A_356 = arith.constant true
        %reduce_sum3A_357 = vector.broadcast %reduce_sum3A_356 : i1 to vector<16xi1>
        %reduce_sum3A_358 = tpu.scan <sum>, %add3A_355 masked %reduce_sum3A_357 : vector<16xf32>, vector<16xi1> -> vector<16xf32>
        %reduce_sum3A_359 = vector.extract %reduce_sum3A_358[15] : f32 from vector<16xf32>
        %broadcast_in_dim3A_360 = vector.broadcast %reduce_sum3A_359 : f32 to vector<16xf32>
        %select_n3A_361 = arith.select %eq3A_320, %broadcast_in_dim3A_360, %select_n3A_317 : vector<16xi1>, vector<16xf32>
        %eq3A_362 = arith.constant 4 : i32
        %eq3A_363 = vector.broadcast %eq3A_362 : i32 to vector<16xi32>
        %eq3A_364 = arith.cmpi eq, %iota3A, %eq3A_363 : vector<16xi32>
        %mul3A_365 = arith.constant 20 : i32
        %mul3A_366 = arith.muli %scan3A_144, %mul3A_365 : i32
        %add3A_367 = arith.constant 4 : i32
        %add3A_368 = arith.addi %mul3A_366, %add3A_367 : i32
        %get3A_369 = arith.index_cast %add3A_146 : i32 to index
        %get3A_370 = arith.constant 0 : index
        %get3A_371 = tpu.vector_load %arg12[%get3A_369, %get3A_370] {strides = array<i32>} : memref<512x64xf32, #tpu.memory_space<vmem>>, vector<16xf32>,
        %get3A_372 = arith.index_cast %add3A_368 : i32 to index
        %get3A_373 = arith.constant 0 : index
        %get3A_374 = tpu.vector_load %arg14[%get3A_372, %get3A_373] {strides = array<i32>} : memref<320x64xf32, #tpu.memory_space<vmem>>, vector<16xf32>,
        %mul3A_375 = arith.mulf %get3A_371, %get3A_374 : vector<16xf32>
        %get3A_376 = arith.index_cast %add3A_146 : i32 to index
        %get3A_377 = arith.constant 16 : index
        %get3A_378 = tpu.vector_load %arg12[%get3A_376, %get3A_377] {strides = array<i32>} : memref<512x64xf32, #tpu.memory_space<vmem>>, vector<16xf32>,
        %get3A_379 = arith.index_cast %add3A_368 : i32 to index
        %get3A_380 = arith.constant 16 : index
        %get3A_381 = tpu.vector_load %arg14[%get3A_379, %get3A_380] {strides = array<i32>} : memref<320x64xf32, #tpu.memory_space<vmem>>, vector<16xf32>,
        %mul3A_382 = arith.mulf %get3A_378, %get3A_381 : vector<16xf32>
        %add3A_383 = arith.addf %mul3A_375, %mul3A_382 : vector<16xf32>
        %get3A_384 = arith.index_cast %add3A_146 : i32 to index
        %get3A_385 = arith.constant 32 : index
        %get3A_386 = tpu.vector_load %arg12[%get3A_384, %get3A_385] {strides = array<i32>} : memref<512x64xf32, #tpu.memory_space<vmem>>, vector<16xf32>,
        %get3A_387 = arith.index_cast %add3A_368 : i32 to index
        %get3A_388 = arith.constant 32 : index
        %get3A_389 = tpu.vector_load %arg14[%get3A_387, %get3A_388] {strides = array<i32>} : memref<320x64xf32, #tpu.memory_space<vmem>>, vector<16xf32>,
        %mul3A_390 = arith.mulf %get3A_386, %get3A_389 : vector<16xf32>
        %add3A_391 = arith.addf %add3A_383, %mul3A_390 : vector<16xf32>
        %get3A_392 = arith.index_cast %add3A_146 : i32 to index
        %get3A_393 = arith.constant 48 : index
        %get3A_394 = tpu.vector_load %arg12[%get3A_392, %get3A_393] {strides = array<i32>} : memref<512x64xf32, #tpu.memory_space<vmem>>, vector<16xf32>,
        %get3A_395 = arith.index_cast %add3A_368 : i32 to index
        %get3A_396 = arith.constant 48 : index
        %get3A_397 = tpu.vector_load %arg14[%get3A_395, %get3A_396] {strides = array<i32>} : memref<320x64xf32, #tpu.memory_space<vmem>>, vector<16xf32>,
        %mul3A_398 = arith.mulf %get3A_394, %get3A_397 : vector<16xf32>
        %add3A_399 = arith.addf %add3A_391, %mul3A_398 : vector<16xf32>
        %reduce_sum3A_400 = arith.constant true
        %reduce_sum3A_401 = vector.broadcast %reduce_sum3A_400 : i1 to vector<16xi1>
        %reduce_sum3A_402 = tpu.scan <sum>, %add3A_399 masked %reduce_sum3A_401 : vector<16xf32>, vector<16xi1> -> vector<16xf32>
        %reduce_sum3A_403 = vector.extract %reduce_sum3A_402[15] : f32 from vector<16xf32>
        %broadcast_in_dim3A_404 = vector.broadcast %reduce_sum3A_403 : f32 to vector<16xf32>
        %select_n3A_405 = arith.select %eq3A_364, %broadcast_in_dim3A_404, %select_n3A_361 : vector<16xi1>, vector<16xf32>
        %eq3A_406 = arith.constant 5 : i32
        %eq3A_407 = vector.broadcast %eq3A_406 : i32 to vector<16xi32>
        %eq3A_408 = arith.cmpi eq, %iota3A, %eq3A_407 : vector<16xi32>
        %mul3A_409 = arith.constant 20 : i32
        %mul3A_410 = arith.muli %scan3A_144, %mul3A_409 : i32
        %add3A_411 = arith.constant 5 : i32
        %add3A_412 = arith.addi %mul3A_410, %add3A_411 : i32
        %get3A_413 = arith.index_cast %add3A_146 : i32 to index
        %get3A_414 = arith.constant 0 : index
        %get3A_415 = tpu.vector_load %arg12[%get3A_413, %get3A_414] {strides = array<i32>} : memref<512x64xf32, #tpu.memory_space<vmem>>, vector<16xf32>,
        %get3A_416 = arith.index_cast %add3A_412 : i32 to index
        %get3A_417 = arith.constant 0 : index
        %get3A_418 = tpu.vector_load %arg14[%get3A_416, %get3A_417] {strides = array<i32>} : memref<320x64xf32, #tpu.memory_space<vmem>>, vector<16xf32>,
        %mul3A_419 = arith.mulf %get3A_415, %get3A_418 : vector<16xf32>
        %get3A_420 = arith.index_cast %add3A_146 : i32 to index
        %get3A_421 = arith.constant 16 : index
        %get3A_422 = tpu.vector_load %arg12[%get3A_420, %get3A_421] {strides = array<i32>} : memref<512x64xf32, #tpu.memory_space<vmem>>, vector<16xf32>,
        %get3A_423 = arith.index_cast %add3A_412 : i32 to index
        %get3A_424 = arith.constant 16 : index
        %get3A_425 = tpu.vector_load %arg14[%get3A_423, %get3A_424] {strides = array<i32>} : memref<320x64xf32, #tpu.memory_space<vmem>>, vector<16xf32>,
        %mul3A_426 = arith.mulf %get3A_422, %get3A_425 : vector<16xf32>
        %add3A_427 = arith.addf %mul3A_419, %mul3A_426 : vector<16xf32>
        %get3A_428 = arith.index_cast %add3A_146 : i32 to index
        %get3A_429 = arith.constant 32 : index
        %get3A_430 = tpu.vector_load %arg12[%get3A_428, %get3A_429] {strides = array<i32>} : memref<512x64xf32, #tpu.memory_space<vmem>>, vector<16xf32>,
        %get3A_431 = arith.index_cast %add3A_412 : i32 to index
        %get3A_432 = arith.constant 32 : index
        %get3A_433 = tpu.vector_load %arg14[%get3A_431, %get3A_432] {strides = array<i32>} : memref<320x64xf32, #tpu.memory_space<vmem>>, vector<16xf32>,
        %mul3A_434 = arith.mulf %get3A_430, %get3A_433 : vector<16xf32>
        %add3A_435 = arith.addf %add3A_427, %mul3A_434 : vector<16xf32>
        %get3A_436 = arith.index_cast %add3A_146 : i32 to index
        %get3A_437 = arith.constant 48 : index
        %get3A_438 = tpu.vector_load %arg12[%get3A_436, %get3A_437] {strides = array<i32>} : memref<512x64xf32, #tpu.memory_space<vmem>>, vector<16xf32>,
        %get3A_439 = arith.index_cast %add3A_412 : i32 to index
        %get3A_440 = arith.constant 48 : index
        %get3A_441 = tpu.vector_load %arg14[%get3A_439, %get3A_440] {strides = array<i32>} : memref<320x64xf32, #tpu.memory_space<vmem>>, vector<16xf32>,
        %mul3A_442 = arith.mulf %get3A_438, %get3A_441 : vector<16xf32>
        %add3A_443 = arith.addf %add3A_435, %mul3A_442 : vector<16xf32>
        %reduce_sum3A_444 = arith.constant true
        %reduce_sum3A_445 = vector.broadcast %reduce_sum3A_444 : i1 to vector<16xi1>
        %reduce_sum3A_446 = tpu.scan <sum>, %add3A_443 masked %reduce_sum3A_445 : vector<16xf32>, vector<16xi1> -> vector<16xf32>
        %reduce_sum3A_447 = vector.extract %reduce_sum3A_446[15] : f32 from vector<16xf32>
        %broadcast_in_dim3A_448 = vector.broadcast %reduce_sum3A_447 : f32 to vector<16xf32>
        %select_n3A_449 = arith.select %eq3A_408, %broadcast_in_dim3A_448, %select_n3A_405 : vector<16xi1>, vector<16xf32>
        %eq3A_450 = arith.constant 6 : i32
        %eq3A_451 = vector.broadcast %eq3A_450 : i32 to vector<16xi32>
        %eq3A_452 = arith.cmpi eq, %iota3A, %eq3A_451 : vector<16xi32>
        %mul3A_453 = arith.constant 20 : i32
        %mul3A_454 = arith.muli %scan3A_144, %mul3A_453 : i32
        %add3A_455 = arith.constant 6 : i32
        %add3A_456 = arith.addi %mul3A_454, %add3A_455 : i32
        %get3A_457 = arith.index_cast %add3A_146 : i32 to index
        %get3A_458 = arith.constant 0 : index
        %get3A_459 = tpu.vector_load %arg12[%get3A_457, %get3A_458] {strides = array<i32>} : memref<512x64xf32, #tpu.memory_space<vmem>>, vector<16xf32>,
        %get3A_460 = arith.index_cast %add3A_456 : i32 to index
        %get3A_461 = arith.constant 0 : index
        %get3A_462 = tpu.vector_load %arg14[%get3A_460, %get3A_461] {strides = array<i32>} : memref<320x64xf32, #tpu.memory_space<vmem>>, vector<16xf32>,
        %mul3A_463 = arith.mulf %get3A_459, %get3A_462 : vector<16xf32>
        %get3A_464 = arith.index_cast %add3A_146 : i32 to index
        %get3A_465 = arith.constant 16 : index
        %get3A_466 = tpu.vector_load %arg12[%get3A_464, %get3A_465] {strides = array<i32>} : memref<512x64xf32, #tpu.memory_space<vmem>>, vector<16xf32>,
        %get3A_467 = arith.index_cast %add3A_456 : i32 to index
        %get3A_468 = arith.constant 16 : index
        %get3A_469 = tpu.vector_load %arg14[%get3A_467, %get3A_468] {strides = array<i32>} : memref<320x64xf32, #tpu.memory_space<vmem>>, vector<16xf32>,
        %mul3A_470 = arith.mulf %get3A_466, %get3A_469 : vector<16xf32>
        %add3A_471 = arith.addf %mul3A_463, %mul3A_470 : vector<16xf32>
        %get3A_472 = arith.index_cast %add3A_146 : i32 to index
        %get3A_473 = arith.constant 32 : index
        %get3A_474 = tpu.vector_load %arg12[%get3A_472, %get3A_473] {strides = array<i32>} : memref<512x64xf32, #tpu.memory_space<vmem>>, vector<16xf32>,
        %get3A_475 = arith.index_cast %add3A_456 : i32 to index
        %get3A_476 = arith.constant 32 : index
        %get3A_477 = tpu.vector_load %arg14[%get3A_475, %get3A_476] {strides = array<i32>} : memref<320x64xf32, #tpu.memory_space<vmem>>, vector<16xf32>,
        %mul3A_478 = arith.mulf %get3A_474, %get3A_477 : vector<16xf32>
        %add3A_479 = arith.addf %add3A_471, %mul3A_478 : vector<16xf32>
        %get3A_480 = arith.index_cast %add3A_146 : i32 to index
        %get3A_481 = arith.constant 48 : index
        %get3A_482 = tpu.vector_load %arg12[%get3A_480, %get3A_481] {strides = array<i32>} : memref<512x64xf32, #tpu.memory_space<vmem>>, vector<16xf32>,
        %get3A_483 = arith.index_cast %add3A_456 : i32 to index
        %get3A_484 = arith.constant 48 : index
        %get3A_485 = tpu.vector_load %arg14[%get3A_483, %get3A_484] {strides = array<i32>} : memref<320x64xf32, #tpu.memory_space<vmem>>, vector<16xf32>,
        %mul3A_486 = arith.mulf %get3A_482, %get3A_485 : vector<16xf32>
        %add3A_487 = arith.addf %add3A_479, %mul3A_486 : vector<16xf32>
        %reduce_sum3A_488 = arith.constant true
        %reduce_sum3A_489 = vector.broadcast %reduce_sum3A_488 : i1 to vector<16xi1>
        %reduce_sum3A_490 = tpu.scan <sum>, %add3A_487 masked %reduce_sum3A_489 : vector<16xf32>, vector<16xi1> -> vector<16xf32>
        %reduce_sum3A_491 = vector.extract %reduce_sum3A_490[15] : f32 from vector<16xf32>
        %broadcast_in_dim3A_492 = vector.broadcast %reduce_sum3A_491 : f32 to vector<16xf32>
        %select_n3A_493 = arith.select %eq3A_452, %broadcast_in_dim3A_492, %select_n3A_449 : vector<16xi1>, vector<16xf32>
        %eq3A_494 = arith.constant 7 : i32
        %eq3A_495 = vector.broadcast %eq3A_494 : i32 to vector<16xi32>
        %eq3A_496 = arith.cmpi eq, %iota3A, %eq3A_495 : vector<16xi32>
        %mul3A_497 = arith.constant 20 : i32
        %mul3A_498 = arith.muli %scan3A_144, %mul3A_497 : i32
        %add3A_499 = arith.constant 7 : i32
        %add3A_500 = arith.addi %mul3A_498, %add3A_499 : i32
        %get3A_501 = arith.index_cast %add3A_146 : i32 to index
        %get3A_502 = arith.constant 0 : index
        %get3A_503 = tpu.vector_load %arg12[%get3A_501, %get3A_502] {strides = array<i32>} : memref<512x64xf32, #tpu.memory_space<vmem>>, vector<16xf32>,
        %get3A_504 = arith.index_cast %add3A_500 : i32 to index
        %get3A_505 = arith.constant 0 : index
        %get3A_506 = tpu.vector_load %arg14[%get3A_504, %get3A_505] {strides = array<i32>} : memref<320x64xf32, #tpu.memory_space<vmem>>, vector<16xf32>,
        %mul3A_507 = arith.mulf %get3A_503, %get3A_506 : vector<16xf32>
        %get3A_508 = arith.index_cast %add3A_146 : i32 to index
        %get3A_509 = arith.constant 16 : index
        %get3A_510 = tpu.vector_load %arg12[%get3A_508, %get3A_509] {strides = array<i32>} : memref<512x64xf32, #tpu.memory_space<vmem>>, vector<16xf32>,
        %get3A_511 = arith.index_cast %add3A_500 : i32 to index
        %get3A_512 = arith.constant 16 : index
        %get3A_513 = tpu.vector_load %arg14[%get3A_511, %get3A_512] {strides = array<i32>} : memref<320x64xf32, #tpu.memory_space<vmem>>, vector<16xf32>,
        %mul3A_514 = arith.mulf %get3A_510, %get3A_513 : vector<16xf32>
        %add3A_515 = arith.addf %mul3A_507, %mul3A_514 : vector<16xf32>
        %get3A_516 = arith.index_cast %add3A_146 : i32 to index
        %get3A_517 = arith.constant 32 : index
        %get3A_518 = tpu.vector_load %arg12[%get3A_516, %get3A_517] {strides = array<i32>} : memref<512x64xf32, #tpu.memory_space<vmem>>, vector<16xf32>,
        %get3A_519 = arith.index_cast %add3A_500 : i32 to index
        %get3A_520 = arith.constant 32 : index
        %get3A_521 = tpu.vector_load %arg14[%get3A_519, %get3A_520] {strides = array<i32>} : memref<320x64xf32, #tpu.memory_space<vmem>>, vector<16xf32>,
        %mul3A_522 = arith.mulf %get3A_518, %get3A_521 : vector<16xf32>
        %add3A_523 = arith.addf %add3A_515, %mul3A_522 : vector<16xf32>
        %get3A_524 = arith.index_cast %add3A_146 : i32 to index
        %get3A_525 = arith.constant 48 : index
        %get3A_526 = tpu.vector_load %arg12[%get3A_524, %get3A_525] {strides = array<i32>} : memref<512x64xf32, #tpu.memory_space<vmem>>, vector<16xf32>,
        %get3A_527 = arith.index_cast %add3A_500 : i32 to index
        %get3A_528 = arith.constant 48 : index
        %get3A_529 = tpu.vector_load %arg14[%get3A_527, %get3A_528] {strides = array<i32>} : memref<320x64xf32, #tpu.memory_space<vmem>>, vector<16xf32>,
        %mul3A_530 = arith.mulf %get3A_526, %get3A_529 : vector<16xf32>
        %add3A_531 = arith.addf %add3A_523, %mul3A_530 : vector<16xf32>
        %reduce_sum3A_532 = arith.constant true
        %reduce_sum3A_533 = vector.broadcast %reduce_sum3A_532 : i1 to vector<16xi1>
        %reduce_sum3A_534 = tpu.scan <sum>, %add3A_531 masked %reduce_sum3A_533 : vector<16xf32>, vector<16xi1> -> vector<16xf32>
        %reduce_sum3A_535 = vector.extract %reduce_sum3A_534[15] : f32 from vector<16xf32>
        %broadcast_in_dim3A_536 = vector.broadcast %reduce_sum3A_535 : f32 to vector<16xf32>
        %select_n3A_537 = arith.select %eq3A_496, %broadcast_in_dim3A_536, %select_n3A_493 : vector<16xi1>, vector<16xf32>
        %eq3A_538 = arith.constant 8 : i32
        %eq3A_539 = vector.broadcast %eq3A_538 : i32 to vector<16xi32>
        %eq3A_540 = arith.cmpi eq, %iota3A, %eq3A_539 : vector<16xi32>
        %mul3A_541 = arith.constant 20 : i32
        %mul3A_542 = arith.muli %scan3A_144, %mul3A_541 : i32
        %add3A_543 = arith.constant 8 : i32
        %add3A_544 = arith.addi %mul3A_542, %add3A_543 : i32
        %get3A_545 = arith.index_cast %add3A_146 : i32 to index
        %get3A_546 = arith.constant 0 : index
        %get3A_547 = tpu.vector_load %arg12[%get3A_545, %get3A_546] {strides = array<i32>} : memref<512x64xf32, #tpu.memory_space<vmem>>, vector<16xf32>,
        %get3A_548 = arith.index_cast %add3A_544 : i32 to index
        %get3A_549 = arith.constant 0 : index
        %get3A_550 = tpu.vector_load %arg14[%get3A_548, %get3A_549] {strides = array<i32>} : memref<320x64xf32, #tpu.memory_space<vmem>>, vector<16xf32>,
        %mul3A_551 = arith.mulf %get3A_547, %get3A_550 : vector<16xf32>
        %get3A_552 = arith.index_cast %add3A_146 : i32 to index
        %get3A_553 = arith.constant 16 : index
        %get3A_554 = tpu.vector_load %arg12[%get3A_552, %get3A_553] {strides = array<i32>} : memref<512x64xf32, #tpu.memory_space<vmem>>, vector<16xf32>,
        %get3A_555 = arith.index_cast %add3A_544 : i32 to index
        %get3A_556 = arith.constant 16 : index
        %get3A_557 = tpu.vector_load %arg14[%get3A_555, %get3A_556] {strides = array<i32>} : memref<320x64xf32, #tpu.memory_space<vmem>>, vector<16xf32>,
        %mul3A_558 = arith.mulf %get3A_554, %get3A_557 : vector<16xf32>
        %add3A_559 = arith.addf %mul3A_551, %mul3A_558 : vector<16xf32>
        %get3A_560 = arith.index_cast %add3A_146 : i32 to index
        %get3A_561 = arith.constant 32 : index
        %get3A_562 = tpu.vector_load %arg12[%get3A_560, %get3A_561] {strides = array<i32>} : memref<512x64xf32, #tpu.memory_space<vmem>>, vector<16xf32>,
        %get3A_563 = arith.index_cast %add3A_544 : i32 to index
        %get3A_564 = arith.constant 32 : index
        %get3A_565 = tpu.vector_load %arg14[%get3A_563, %get3A_564] {strides = array<i32>} : memref<320x64xf32, #tpu.memory_space<vmem>>, vector<16xf32>,
        %mul3A_566 = arith.mulf %get3A_562, %get3A_565 : vector<16xf32>
        %add3A_567 = arith.addf %add3A_559, %mul3A_566 : vector<16xf32>
        %get3A_568 = arith.index_cast %add3A_146 : i32 to index
        %get3A_569 = arith.constant 48 : index
        %get3A_570 = tpu.vector_load %arg12[%get3A_568, %get3A_569] {strides = array<i32>} : memref<512x64xf32, #tpu.memory_space<vmem>>, vector<16xf32>,
        %get3A_571 = arith.index_cast %add3A_544 : i32 to index
        %get3A_572 = arith.constant 48 : index
        %get3A_573 = tpu.vector_load %arg14[%get3A_571, %get3A_572] {strides = array<i32>} : memref<320x64xf32, #tpu.memory_space<vmem>>, vector<16xf32>,
        %mul3A_574 = arith.mulf %get3A_570, %get3A_573 : vector<16xf32>
        %add3A_575 = arith.addf %add3A_567, %mul3A_574 : vector<16xf32>
        %reduce_sum3A_576 = arith.constant true
        %reduce_sum3A_577 = vector.broadcast %reduce_sum3A_576 : i1 to vector<16xi1>
        %reduce_sum3A_578 = tpu.scan <sum>, %add3A_575 masked %reduce_sum3A_577 : vector<16xf32>, vector<16xi1> -> vector<16xf32>
        %reduce_sum3A_579 = vector.extract %reduce_sum3A_578[15] : f32 from vector<16xf32>
        %broadcast_in_dim3A_580 = vector.broadcast %reduce_sum3A_579 : f32 to vector<16xf32>
        %select_n3A_581 = arith.select %eq3A_540, %broadcast_in_dim3A_580, %select_n3A_537 : vector<16xi1>, vector<16xf32>
        %eq3A_582 = arith.constant 9 : i32
        %eq3A_583 = vector.broadcast %eq3A_582 : i32 to vector<16xi32>
        %eq3A_584 = arith.cmpi eq, %iota3A, %eq3A_583 : vector<16xi32>
        %mul3A_585 = arith.constant 20 : i32
        %mul3A_586 = arith.muli %scan3A_144, %mul3A_585 : i32
        %add3A_587 = arith.constant 9 : i32
        %add3A_588 = arith.addi %mul3A_586, %add3A_587 : i32
        %get3A_589 = arith.index_cast %add3A_146 : i32 to index
        %get3A_590 = arith.constant 0 : index
        %get3A_591 = tpu.vector_load %arg12[%get3A_589, %get3A_590] {strides = array<i32>} : memref<512x64xf32, #tpu.memory_space<vmem>>, vector<16xf32>,
        %get3A_592 = arith.index_cast %add3A_588 : i32 to index
        %get3A_593 = arith.constant 0 : index
        %get3A_594 = tpu.vector_load %arg14[%get3A_592, %get3A_593] {strides = array<i32>} : memref<320x64xf32, #tpu.memory_space<vmem>>, vector<16xf32>,
        %mul3A_595 = arith.mulf %get3A_591, %get3A_594 : vector<16xf32>
        %get3A_596 = arith.index_cast %add3A_146 : i32 to index
        %get3A_597 = arith.constant 16 : index
        %get3A_598 = tpu.vector_load %arg12[%get3A_596, %get3A_597] {strides = array<i32>} : memref<512x64xf32, #tpu.memory_space<vmem>>, vector<16xf32>,
        %get3A_599 = arith.index_cast %add3A_588 : i32 to index
        %get3A_600 = arith.constant 16 : index
        %get3A_601 = tpu.vector_load %arg14[%get3A_599, %get3A_600] {strides = array<i32>} : memref<320x64xf32, #tpu.memory_space<vmem>>, vector<16xf32>,
        %mul3A_602 = arith.mulf %get3A_598, %get3A_601 : vector<16xf32>
        %add3A_603 = arith.addf %mul3A_595, %mul3A_602 : vector<16xf32>
        %get3A_604 = arith.index_cast %add3A_146 : i32 to index
        %get3A_605 = arith.constant 32 : index
        %get3A_606 = tpu.vector_load %arg12[%get3A_604, %get3A_605] {strides = array<i32>} : memref<512x64xf32, #tpu.memory_space<vmem>>, vector<16xf32>,
        %get3A_607 = arith.index_cast %add3A_588 : i32 to index
        %get3A_608 = arith.constant 32 : index
        %get3A_609 = tpu.vector_load %arg14[%get3A_607, %get3A_608] {strides = array<i32>} : memref<320x64xf32, #tpu.memory_space<vmem>>, vector<16xf32>,
        %mul3A_610 = arith.mulf %get3A_606, %get3A_609 : vector<16xf32>
        %add3A_611 = arith.addf %add3A_603, %mul3A_610 : vector<16xf32>
        %get3A_612 = arith.index_cast %add3A_146 : i32 to index
        %get3A_613 = arith.constant 48 : index
        %get3A_614 = tpu.vector_load %arg12[%get3A_612, %get3A_613] {strides = array<i32>} : memref<512x64xf32, #tpu.memory_space<vmem>>, vector<16xf32>,
        %get3A_615 = arith.index_cast %add3A_588 : i32 to index
        %get3A_616 = arith.constant 48 : index
        %get3A_617 = tpu.vector_load %arg14[%get3A_615, %get3A_616] {strides = array<i32>} : memref<320x64xf32, #tpu.memory_space<vmem>>, vector<16xf32>,
        %mul3A_618 = arith.mulf %get3A_614, %get3A_617 : vector<16xf32>
        %add3A_619 = arith.addf %add3A_611, %mul3A_618 : vector<16xf32>
        %reduce_sum3A_620 = arith.constant true
        %reduce_sum3A_621 = vector.broadcast %reduce_sum3A_620 : i1 to vector<16xi1>
        %reduce_sum3A_622 = tpu.scan <sum>, %add3A_619 masked %reduce_sum3A_621 : vector<16xf32>, vector<16xi1> -> vector<16xf32>
        %reduce_sum3A_623 = vector.extract %reduce_sum3A_622[15] : f32 from vector<16xf32>
        %broadcast_in_dim3A_624 = vector.broadcast %reduce_sum3A_623 : f32 to vector<16xf32>
        %select_n3A_625 = arith.select %eq3A_584, %broadcast_in_dim3A_624, %select_n3A_581 : vector<16xi1>, vector<16xf32>
        %eq3A_626 = arith.constant 10 : i32
        %eq3A_627 = vector.broadcast %eq3A_626 : i32 to vector<16xi32>
        %eq3A_628 = arith.cmpi eq, %iota3A, %eq3A_627 : vector<16xi32>
        %mul3A_629 = arith.constant 20 : i32
        %mul3A_630 = arith.muli %scan3A_144, %mul3A_629 : i32
        %add3A_631 = arith.constant 10 : i32
        %add3A_632 = arith.addi %mul3A_630, %add3A_631 : i32
        %get3A_633 = arith.index_cast %add3A_146 : i32 to index
        %get3A_634 = arith.constant 0 : index
        %get3A_635 = tpu.vector_load %arg12[%get3A_633, %get3A_634] {strides = array<i32>} : memref<512x64xf32, #tpu.memory_space<vmem>>, vector<16xf32>,
        %get3A_636 = arith.index_cast %add3A_632 : i32 to index
        %get3A_637 = arith.constant 0 : index
        %get3A_638 = tpu.vector_load %arg14[%get3A_636, %get3A_637] {strides = array<i32>} : memref<320x64xf32, #tpu.memory_space<vmem>>, vector<16xf32>,
        %mul3A_639 = arith.mulf %get3A_635, %get3A_638 : vector<16xf32>
        %get3A_640 = arith.index_cast %add3A_146 : i32 to index
        %get3A_641 = arith.constant 16 : index
        %get3A_642 = tpu.vector_load %arg12[%get3A_640, %get3A_641] {strides = array<i32>} : memref<512x64xf32, #tpu.memory_space<vmem>>, vector<16xf32>,
        %get3A_643 = arith.index_cast %add3A_632 : i32 to index
        %get3A_644 = arith.constant 16 : index
        %get3A_645 = tpu.vector_load %arg14[%get3A_643, %get3A_644] {strides = array<i32>} : memref<320x64xf32, #tpu.memory_space<vmem>>, vector<16xf32>,
        %mul3A_646 = arith.mulf %get3A_642, %get3A_645 : vector<16xf32>
        %add3A_647 = arith.addf %mul3A_639, %mul3A_646 : vector<16xf32>
        %get3A_648 = arith.index_cast %add3A_146 : i32 to index
        %get3A_649 = arith.constant 32 : index
        %get3A_650 = tpu.vector_load %arg12[%get3A_648, %get3A_649] {strides = array<i32>} : memref<512x64xf32, #tpu.memory_space<vmem>>, vector<16xf32>,
        %get3A_651 = arith.index_cast %add3A_632 : i32 to index
        %get3A_652 = arith.constant 32 : index
        %get3A_653 = tpu.vector_load %arg14[%get3A_651, %get3A_652] {strides = array<i32>} : memref<320x64xf32, #tpu.memory_space<vmem>>, vector<16xf32>,
        %mul3A_654 = arith.mulf %get3A_650, %get3A_653 : vector<16xf32>
        %add3A_655 = arith.addf %add3A_647, %mul3A_654 : vector<16xf32>
        %get3A_656 = arith.index_cast %add3A_146 : i32 to index
        %get3A_657 = arith.constant 48 : index
        %get3A_658 = tpu.vector_load %arg12[%get3A_656, %get3A_657] {strides = array<i32>} : memref<512x64xf32, #tpu.memory_space<vmem>>, vector<16xf32>,
        %get3A_659 = arith.index_cast %add3A_632 : i32 to index
        %get3A_660 = arith.constant 48 : index
        %get3A_661 = tpu.vector_load %arg14[%get3A_659, %get3A_660] {strides = array<i32>} : memref<320x64xf32, #tpu.memory_space<vmem>>, vector<16xf32>,
        %mul3A_662 = arith.mulf %get3A_658, %get3A_661 : vector<16xf32>
        %add3A_663 = arith.addf %add3A_655, %mul3A_662 : vector<16xf32>
        %reduce_sum3A_664 = arith.constant true
        %reduce_sum3A_665 = vector.broadcast %reduce_sum3A_664 : i1 to vector<16xi1>
        %reduce_sum3A_666 = tpu.scan <sum>, %add3A_663 masked %reduce_sum3A_665 : vector<16xf32>, vector<16xi1> -> vector<16xf32>
        %reduce_sum3A_667 = vector.extract %reduce_sum3A_666[15] : f32 from vector<16xf32>
        %broadcast_in_dim3A_668 = vector.broadcast %reduce_sum3A_667 : f32 to vector<16xf32>
        %select_n3A_669 = arith.select %eq3A_628, %broadcast_in_dim3A_668, %select_n3A_625 : vector<16xi1>, vector<16xf32>
        %eq3A_670 = arith.constant 11 : i32
        %eq3A_671 = vector.broadcast %eq3A_670 : i32 to vector<16xi32>
        %eq3A_672 = arith.cmpi eq, %iota3A, %eq3A_671 : vector<16xi32>
        %mul3A_673 = arith.constant 20 : i32
        %mul3A_674 = arith.muli %scan3A_144, %mul3A_673 : i32
        %add3A_675 = arith.constant 11 : i32
        %add3A_676 = arith.addi %mul3A_674, %add3A_675 : i32
        %get3A_677 = arith.index_cast %add3A_146 : i32 to index
        %get3A_678 = arith.constant 0 : index
        %get3A_679 = tpu.vector_load %arg12[%get3A_677, %get3A_678] {strides = array<i32>} : memref<512x64xf32, #tpu.memory_space<vmem>>, vector<16xf32>,
        %get3A_680 = arith.index_cast %add3A_676 : i32 to index
        %get3A_681 = arith.constant 0 : index
        %get3A_682 = tpu.vector_load %arg14[%get3A_680, %get3A_681] {strides = array<i32>} : memref<320x64xf32, #tpu.memory_space<vmem>>, vector<16xf32>,
        %mul3A_683 = arith.mulf %get3A_679, %get3A_682 : vector<16xf32>
        %get3A_684 = arith.index_cast %add3A_146 : i32 to index
        %get3A_685 = arith.constant 16 : index
        %get3A_686 = tpu.vector_load %arg12[%get3A_684, %get3A_685] {strides = array<i32>} : memref<512x64xf32, #tpu.memory_space<vmem>>, vector<16xf32>,
        %get3A_687 = arith.index_cast %add3A_676 : i32 to index
        %get3A_688 = arith.constant 16 : index
        %get3A_689 = tpu.vector_load %arg14[%get3A_687, %get3A_688] {strides = array<i32>} : memref<320x64xf32, #tpu.memory_space<vmem>>, vector<16xf32>,
        %mul3A_690 = arith.mulf %get3A_686, %get3A_689 : vector<16xf32>
        %add3A_691 = arith.addf %mul3A_683, %mul3A_690 : vector<16xf32>
        %get3A_692 = arith.index_cast %add3A_146 : i32 to index
        %get3A_693 = arith.constant 32 : index
        %get3A_694 = tpu.vector_load %arg12[%get3A_692, %get3A_693] {strides = array<i32>} : memref<512x64xf32, #tpu.memory_space<vmem>>, vector<16xf32>,
        %get3A_695 = arith.index_cast %add3A_676 : i32 to index
        %get3A_696 = arith.constant 32 : index
        %get3A_697 = tpu.vector_load %arg14[%get3A_695, %get3A_696] {strides = array<i32>} : memref<320x64xf32, #tpu.memory_space<vmem>>, vector<16xf32>,
        %mul3A_698 = arith.mulf %get3A_694, %get3A_697 : vector<16xf32>
        %add3A_699 = arith.addf %add3A_691, %mul3A_698 : vector<16xf32>
        %get3A_700 = arith.index_cast %add3A_146 : i32 to index
        %get3A_701 = arith.constant 48 : index
        %get3A_702 = tpu.vector_load %arg12[%get3A_700, %get3A_701] {strides = array<i32>} : memref<512x64xf32, #tpu.memory_space<vmem>>, vector<16xf32>,
        %get3A_703 = arith.index_cast %add3A_676 : i32 to index
        %get3A_704 = arith.constant 48 : index
        %get3A_705 = tpu.vector_load %arg14[%get3A_703, %get3A_704] {strides = array<i32>} : memref<320x64xf32, #tpu.memory_space<vmem>>, vector<16xf32>,
        %mul3A_706 = arith.mulf %get3A_702, %get3A_705 : vector<16xf32>
        %add3A_707 = arith.addf %add3A_699, %mul3A_706 : vector<16xf32>
        %reduce_sum3A_708 = arith.constant true
        %reduce_sum3A_709 = vector.broadcast %reduce_sum3A_708 : i1 to vector<16xi1>
        %reduce_sum3A_710 = tpu.scan <sum>, %add3A_707 masked %reduce_sum3A_709 : vector<16xf32>, vector<16xi1> -> vector<16xf32>
        %reduce_sum3A_711 = vector.extract %reduce_sum3A_710[15] : f32 from vector<16xf32>
        %broadcast_in_dim3A_712 = vector.broadcast %reduce_sum3A_711 : f32 to vector<16xf32>
        %select_n3A_713 = arith.select %eq3A_672, %broadcast_in_dim3A_712, %select_n3A_669 : vector<16xi1>, vector<16xf32>
        %eq3A_714 = arith.constant 12 : i32
        %eq3A_715 = vector.broadcast %eq3A_714 : i32 to vector<16xi32>
        %eq3A_716 = arith.cmpi eq, %iota3A, %eq3A_715 : vector<16xi32>
        %mul3A_717 = arith.constant 20 : i32
        %mul3A_718 = arith.muli %scan3A_144, %mul3A_717 : i32
        %add3A_719 = arith.constant 12 : i32
        %add3A_720 = arith.addi %mul3A_718, %add3A_719 : i32
        %get3A_721 = arith.index_cast %add3A_146 : i32 to index
        %get3A_722 = arith.constant 0 : index
        %get3A_723 = tpu.vector_load %arg12[%get3A_721, %get3A_722] {strides = array<i32>} : memref<512x64xf32, #tpu.memory_space<vmem>>, vector<16xf32>,
        %get3A_724 = arith.index_cast %add3A_720 : i32 to index
        %get3A_725 = arith.constant 0 : index
        %get3A_726 = tpu.vector_load %arg14[%get3A_724, %get3A_725] {strides = array<i32>} : memref<320x64xf32, #tpu.memory_space<vmem>>, vector<16xf32>,
        %mul3A_727 = arith.mulf %get3A_723, %get3A_726 : vector<16xf32>
        %get3A_728 = arith.index_cast %add3A_146 : i32 to index
        %get3A_729 = arith.constant 16 : index
        %get3A_730 = tpu.vector_load %arg12[%get3A_728, %get3A_729] {strides = array<i32>} : memref<512x64xf32, #tpu.memory_space<vmem>>, vector<16xf32>,
        %get3A_731 = arith.index_cast %add3A_720 : i32 to index
        %get3A_732 = arith.constant 16 : index
        %get3A_733 = tpu.vector_load %arg14[%get3A_731, %get3A_732] {strides = array<i32>} : memref<320x64xf32, #tpu.memory_space<vmem>>, vector<16xf32>,
        %mul3A_734 = arith.mulf %get3A_730, %get3A_733 : vector<16xf32>
        %add3A_735 = arith.addf %mul3A_727, %mul3A_734 : vector<16xf32>
        %get3A_736 = arith.index_cast %add3A_146 : i32 to index
        %get3A_737 = arith.constant 32 : index
        %get3A_738 = tpu.vector_load %arg12[%get3A_736, %get3A_737] {strides = array<i32>} : memref<512x64xf32, #tpu.memory_space<vmem>>, vector<16xf32>,
        %get3A_739 = arith.index_cast %add3A_720 : i32 to index
        %get3A_740 = arith.constant 32 : index
        %get3A_741 = tpu.vector_load %arg14[%get3A_739, %get3A_740] {strides = array<i32>} : memref<320x64xf32, #tpu.memory_space<vmem>>, vector<16xf32>,
        %mul3A_742 = arith.mulf %get3A_738, %get3A_741 : vector<16xf32>
        %add3A_743 = arith.addf %add3A_735, %mul3A_742 : vector<16xf32>
        %get3A_744 = arith.index_cast %add3A_146 : i32 to index
        %get3A_745 = arith.constant 48 : index
        %get3A_746 = tpu.vector_load %arg12[%get3A_744, %get3A_745] {strides = array<i32>} : memref<512x64xf32, #tpu.memory_space<vmem>>, vector<16xf32>,
        %get3A_747 = arith.index_cast %add3A_720 : i32 to index
        %get3A_748 = arith.constant 48 : index
        %get3A_749 = tpu.vector_load %arg14[%get3A_747, %get3A_748] {strides = array<i32>} : memref<320x64xf32, #tpu.memory_space<vmem>>, vector<16xf32>,
        %mul3A_750 = arith.mulf %get3A_746, %get3A_749 : vector<16xf32>
        %add3A_751 = arith.addf %add3A_743, %mul3A_750 : vector<16xf32>
        %reduce_sum3A_752 = arith.constant true
        %reduce_sum3A_753 = vector.broadcast %reduce_sum3A_752 : i1 to vector<16xi1>
        %reduce_sum3A_754 = tpu.scan <sum>, %add3A_751 masked %reduce_sum3A_753 : vector<16xf32>, vector<16xi1> -> vector<16xf32>
        %reduce_sum3A_755 = vector.extract %reduce_sum3A_754[15] : f32 from vector<16xf32>
        %broadcast_in_dim3A_756 = vector.broadcast %reduce_sum3A_755 : f32 to vector<16xf32>
        %select_n3A_757 = arith.select %eq3A_716, %broadcast_in_dim3A_756, %select_n3A_713 : vector<16xi1>, vector<16xf32>
        %eq3A_758 = arith.constant 13 : i32
        %eq3A_759 = vector.broadcast %eq3A_758 : i32 to vector<16xi32>
        %eq3A_760 = arith.cmpi eq, %iota3A, %eq3A_759 : vector<16xi32>
        %mul3A_761 = arith.constant 20 : i32
        %mul3A_762 = arith.muli %scan3A_144, %mul3A_761 : i32
        %add3A_763 = arith.constant 13 : i32
        %add3A_764 = arith.addi %mul3A_762, %add3A_763 : i32
        %get3A_765 = arith.index_cast %add3A_146 : i32 to index
        %get3A_766 = arith.constant 0 : index
        %get3A_767 = tpu.vector_load %arg12[%get3A_765, %get3A_766] {strides = array<i32>} : memref<512x64xf32, #tpu.memory_space<vmem>>, vector<16xf32>,
        %get3A_768 = arith.index_cast %add3A_764 : i32 to index
        %get3A_769 = arith.constant 0 : index
        %get3A_770 = tpu.vector_load %arg14[%get3A_768, %get3A_769] {strides = array<i32>} : memref<320x64xf32, #tpu.memory_space<vmem>>, vector<16xf32>,
        %mul3A_771 = arith.mulf %get3A_767, %get3A_770 : vector<16xf32>
        %get3A_772 = arith.index_cast %add3A_146 : i32 to index
        %get3A_773 = arith.constant 16 : index
        %get3A_774 = tpu.vector_load %arg12[%get3A_772, %get3A_773] {strides = array<i32>} : memref<512x64xf32, #tpu.memory_space<vmem>>, vector<16xf32>,
        %get3A_775 = arith.index_cast %add3A_764 : i32 to index
        %get3A_776 = arith.constant 16 : index
        %get3A_777 = tpu.vector_load %arg14[%get3A_775, %get3A_776] {strides = array<i32>} : memref<320x64xf32, #tpu.memory_space<vmem>>, vector<16xf32>,
        %mul3A_778 = arith.mulf %get3A_774, %get3A_777 : vector<16xf32>
        %add3A_779 = arith.addf %mul3A_771, %mul3A_778 : vector<16xf32>
        %get3A_780 = arith.index_cast %add3A_146 : i32 to index
        %get3A_781 = arith.constant 32 : index
        %get3A_782 = tpu.vector_load %arg12[%get3A_780, %get3A_781] {strides = array<i32>} : memref<512x64xf32, #tpu.memory_space<vmem>>, vector<16xf32>,
        %get3A_783 = arith.index_cast %add3A_764 : i32 to index
        %get3A_784 = arith.constant 32 : index
        %get3A_785 = tpu.vector_load %arg14[%get3A_783, %get3A_784] {strides = array<i32>} : memref<320x64xf32, #tpu.memory_space<vmem>>, vector<16xf32>,
        %mul3A_786 = arith.mulf %get3A_782, %get3A_785 : vector<16xf32>
        %add3A_787 = arith.addf %add3A_779, %mul3A_786 : vector<16xf32>
        %get3A_788 = arith.index_cast %add3A_146 : i32 to index
        %get3A_789 = arith.constant 48 : index
        %get3A_790 = tpu.vector_load %arg12[%get3A_788, %get3A_789] {strides = array<i32>} : memref<512x64xf32, #tpu.memory_space<vmem>>, vector<16xf32>,
        %get3A_791 = arith.index_cast %add3A_764 : i32 to index
        %get3A_792 = arith.constant 48 : index
        %get3A_793 = tpu.vector_load %arg14[%get3A_791, %get3A_792] {strides = array<i32>} : memref<320x64xf32, #tpu.memory_space<vmem>>, vector<16xf32>,
        %mul3A_794 = arith.mulf %get3A_790, %get3A_793 : vector<16xf32>
        %add3A_795 = arith.addf %add3A_787, %mul3A_794 : vector<16xf32>
        %reduce_sum3A_796 = arith.constant true
        %reduce_sum3A_797 = vector.broadcast %reduce_sum3A_796 : i1 to vector<16xi1>
        %reduce_sum3A_798 = tpu.scan <sum>, %add3A_795 masked %reduce_sum3A_797 : vector<16xf32>, vector<16xi1> -> vector<16xf32>
        %reduce_sum3A_799 = vector.extract %reduce_sum3A_798[15] : f32 from vector<16xf32>
        %broadcast_in_dim3A_800 = vector.broadcast %reduce_sum3A_799 : f32 to vector<16xf32>
        %select_n3A_801 = arith.select %eq3A_760, %broadcast_in_dim3A_800, %select_n3A_757 : vector<16xi1>, vector<16xf32>
        %eq3A_802 = arith.constant 14 : i32
        %eq3A_803 = vector.broadcast %eq3A_802 : i32 to vector<16xi32>
        %eq3A_804 = arith.cmpi eq, %iota3A, %eq3A_803 : vector<16xi32>
        %mul3A_805 = arith.constant 20 : i32
        %mul3A_806 = arith.muli %scan3A_144, %mul3A_805 : i32
        %add3A_807 = arith.constant 14 : i32
        %add3A_808 = arith.addi %mul3A_806, %add3A_807 : i32
        %get3A_809 = arith.index_cast %add3A_146 : i32 to index
        %get3A_810 = arith.constant 0 : index
        %get3A_811 = tpu.vector_load %arg12[%get3A_809, %get3A_810] {strides = array<i32>} : memref<512x64xf32, #tpu.memory_space<vmem>>, vector<16xf32>,
        %get3A_812 = arith.index_cast %add3A_808 : i32 to index
        %get3A_813 = arith.constant 0 : index
        %get3A_814 = tpu.vector_load %arg14[%get3A_812, %get3A_813] {strides = array<i32>} : memref<320x64xf32, #tpu.memory_space<vmem>>, vector<16xf32>,
        %mul3A_815 = arith.mulf %get3A_811, %get3A_814 : vector<16xf32>
        %get3A_816 = arith.index_cast %add3A_146 : i32 to index
        %get3A_817 = arith.constant 16 : index
        %get3A_818 = tpu.vector_load %arg12[%get3A_816, %get3A_817] {strides = array<i32>} : memref<512x64xf32, #tpu.memory_space<vmem>>, vector<16xf32>,
        %get3A_819 = arith.index_cast %add3A_808 : i32 to index
        %get3A_820 = arith.constant 16 : index
        %get3A_821 = tpu.vector_load %arg14[%get3A_819, %get3A_820] {strides = array<i32>} : memref<320x64xf32, #tpu.memory_space<vmem>>, vector<16xf32>,
        %mul3A_822 = arith.mulf %get3A_818, %get3A_821 : vector<16xf32>
        %add3A_823 = arith.addf %mul3A_815, %mul3A_822 : vector<16xf32>
        %get3A_824 = arith.index_cast %add3A_146 : i32 to index
        %get3A_825 = arith.constant 32 : index
        %get3A_826 = tpu.vector_load %arg12[%get3A_824, %get3A_825] {strides = array<i32>} : memref<512x64xf32, #tpu.memory_space<vmem>>, vector<16xf32>,
        %get3A_827 = arith.index_cast %add3A_808 : i32 to index
        %get3A_828 = arith.constant 32 : index
        %get3A_829 = tpu.vector_load %arg14[%get3A_827, %get3A_828] {strides = array<i32>} : memref<320x64xf32, #tpu.memory_space<vmem>>, vector<16xf32>,
        %mul3A_830 = arith.mulf %get3A_826, %get3A_829 : vector<16xf32>
        %add3A_831 = arith.addf %add3A_823, %mul3A_830 : vector<16xf32>
        %get3A_832 = arith.index_cast %add3A_146 : i32 to index
        %get3A_833 = arith.constant 48 : index
        %get3A_834 = tpu.vector_load %arg12[%get3A_832, %get3A_833] {strides = array<i32>} : memref<512x64xf32, #tpu.memory_space<vmem>>, vector<16xf32>,
        %get3A_835 = arith.index_cast %add3A_808 : i32 to index
        %get3A_836 = arith.constant 48 : index
        %get3A_837 = tpu.vector_load %arg14[%get3A_835, %get3A_836] {strides = array<i32>} : memref<320x64xf32, #tpu.memory_space<vmem>>, vector<16xf32>,
        %mul3A_838 = arith.mulf %get3A_834, %get3A_837 : vector<16xf32>
        %add3A_839 = arith.addf %add3A_831, %mul3A_838 : vector<16xf32>
        %reduce_sum3A_840 = arith.constant true
        %reduce_sum3A_841 = vector.broadcast %reduce_sum3A_840 : i1 to vector<16xi1>
        %reduce_sum3A_842 = tpu.scan <sum>, %add3A_839 masked %reduce_sum3A_841 : vector<16xf32>, vector<16xi1> -> vector<16xf32>
        %reduce_sum3A_843 = vector.extract %reduce_sum3A_842[15] : f32 from vector<16xf32>
        %broadcast_in_dim3A_844 = vector.broadcast %reduce_sum3A_843 : f32 to vector<16xf32>
        %select_n3A_845 = arith.select %eq3A_804, %broadcast_in_dim3A_844, %select_n3A_801 : vector<16xi1>, vector<16xf32>
        %eq3A_846 = arith.constant 15 : i32
        %eq3A_847 = vector.broadcast %eq3A_846 : i32 to vector<16xi32>
        %eq3A_848 = arith.cmpi eq, %iota3A, %eq3A_847 : vector<16xi32>
        %mul3A_849 = arith.constant 20 : i32
        %mul3A_850 = arith.muli %scan3A_144, %mul3A_849 : i32
        %add3A_851 = arith.constant 15 : i32
        %add3A_852 = arith.addi %mul3A_850, %add3A_851 : i32
        %get3A_853 = arith.index_cast %add3A_146 : i32 to index
        %get3A_854 = arith.constant 0 : index
        %get3A_855 = tpu.vector_load %arg12[%get3A_853, %get3A_854] {strides = array<i32>} : memref<512x64xf32, #tpu.memory_space<vmem>>, vector<16xf32>,
        %get3A_856 = arith.index_cast %add3A_852 : i32 to index
        %get3A_857 = arith.constant 0 : index
        %get3A_858 = tpu.vector_load %arg14[%get3A_856, %get3A_857] {strides = array<i32>} : memref<320x64xf32, #tpu.memory_space<vmem>>, vector<16xf32>,
        %mul3A_859 = arith.mulf %get3A_855, %get3A_858 : vector<16xf32>
        %get3A_860 = arith.index_cast %add3A_146 : i32 to index
        %get3A_861 = arith.constant 16 : index
        %get3A_862 = tpu.vector_load %arg12[%get3A_860, %get3A_861] {strides = array<i32>} : memref<512x64xf32, #tpu.memory_space<vmem>>, vector<16xf32>,
        %get3A_863 = arith.index_cast %add3A_852 : i32 to index
        %get3A_864 = arith.constant 16 : index
        %get3A_865 = tpu.vector_load %arg14[%get3A_863, %get3A_864] {strides = array<i32>} : memref<320x64xf32, #tpu.memory_space<vmem>>, vector<16xf32>,
        %mul3A_866 = arith.mulf %get3A_862, %get3A_865 : vector<16xf32>
        %add3A_867 = arith.addf %mul3A_859, %mul3A_866 : vector<16xf32>
        %get3A_868 = arith.index_cast %add3A_146 : i32 to index
        %get3A_869 = arith.constant 32 : index
        %get3A_870 = tpu.vector_load %arg12[%get3A_868, %get3A_869] {strides = array<i32>} : memref<512x64xf32, #tpu.memory_space<vmem>>, vector<16xf32>,
        %get3A_871 = arith.index_cast %add3A_852 : i32 to index
        %get3A_872 = arith.constant 32 : index
        %get3A_873 = tpu.vector_load %arg14[%get3A_871, %get3A_872] {strides = array<i32>} : memref<320x64xf32, #tpu.memory_space<vmem>>, vector<16xf32>,
        %mul3A_874 = arith.mulf %get3A_870, %get3A_873 : vector<16xf32>
        %add3A_875 = arith.addf %add3A_867, %mul3A_874 : vector<16xf32>
        %get3A_876 = arith.index_cast %add3A_146 : i32 to index
        %get3A_877 = arith.constant 48 : index
        %get3A_878 = tpu.vector_load %arg12[%get3A_876, %get3A_877] {strides = array<i32>} : memref<512x64xf32, #tpu.memory_space<vmem>>, vector<16xf32>,
        %get3A_879 = arith.index_cast %add3A_852 : i32 to index
        %get3A_880 = arith.constant 48 : index
        %get3A_881 = tpu.vector_load %arg14[%get3A_879, %get3A_880] {strides = array<i32>} : memref<320x64xf32, #tpu.memory_space<vmem>>, vector<16xf32>,
        %mul3A_882 = arith.mulf %get3A_878, %get3A_881 : vector<16xf32>
        %add3A_883 = arith.addf %add3A_875, %mul3A_882 : vector<16xf32>
        %reduce_sum3A_884 = arith.constant true
        %reduce_sum3A_885 = vector.broadcast %reduce_sum3A_884 : i1 to vector<16xi1>
        %reduce_sum3A_886 = tpu.scan <sum>, %add3A_883 masked %reduce_sum3A_885 : vector<16xf32>, vector<16xi1> -> vector<16xf32>
        %reduce_sum3A_887 = vector.extract %reduce_sum3A_886[15] : f32 from vector<16xf32>
        %broadcast_in_dim3A_888 = vector.broadcast %reduce_sum3A_887 : f32 to vector<16xf32>
        %select_n3A_889 = arith.select %eq3A_848, %broadcast_in_dim3A_888, %select_n3A_845 : vector<16xi1>, vector<16xf32>
        %eq3A_890 = arith.constant 0 : i32
        %eq3A_891 = vector.broadcast %eq3A_890 : i32 to vector<16xi32>
        %eq3A_892 = arith.cmpi eq, %iota3A, %eq3A_891 : vector<16xi32>
        %mul3A_893 = arith.constant 20 : i32
        %mul3A_894 = arith.muli %scan3A_144, %mul3A_893 : i32
        %add3A_895 = arith.constant 16 : i32
        %add3A_896 = arith.addi %mul3A_894, %add3A_895 : i32
        %get3A_897 = arith.index_cast %add3A_146 : i32 to index
        %get3A_898 = arith.constant 0 : index
        %get3A_899 = tpu.vector_load %arg12[%get3A_897, %get3A_898] {strides = array<i32>} : memref<512x64xf32, #tpu.memory_space<vmem>>, vector<16xf32>,
        %get3A_900 = arith.index_cast %add3A_896 : i32 to index
        %get3A_901 = arith.constant 0 : index
        %get3A_902 = tpu.vector_load %arg14[%get3A_900, %get3A_901] {strides = array<i32>} : memref<320x64xf32, #tpu.memory_space<vmem>>, vector<16xf32>,
        %mul3A_903 = arith.mulf %get3A_899, %get3A_902 : vector<16xf32>
        %get3A_904 = arith.index_cast %add3A_146 : i32 to index
        %get3A_905 = arith.constant 16 : index
        %get3A_906 = tpu.vector_load %arg12[%get3A_904, %get3A_905] {strides = array<i32>} : memref<512x64xf32, #tpu.memory_space<vmem>>, vector<16xf32>,
        %get3A_907 = arith.index_cast %add3A_896 : i32 to index
        %get3A_908 = arith.constant 16 : index
        %get3A_909 = tpu.vector_load %arg14[%get3A_907, %get3A_908] {strides = array<i32>} : memref<320x64xf32, #tpu.memory_space<vmem>>, vector<16xf32>,
        %mul3A_910 = arith.mulf %get3A_906, %get3A_909 : vector<16xf32>
        %add3A_911 = arith.addf %mul3A_903, %mul3A_910 : vector<16xf32>
        %get3A_912 = arith.index_cast %add3A_146 : i32 to index
        %get3A_913 = arith.constant 32 : index
        %get3A_914 = tpu.vector_load %arg12[%get3A_912, %get3A_913] {strides = array<i32>} : memref<512x64xf32, #tpu.memory_space<vmem>>, vector<16xf32>,
        %get3A_915 = arith.index_cast %add3A_896 : i32 to index
        %get3A_916 = arith.constant 32 : index
        %get3A_917 = tpu.vector_load %arg14[%get3A_915, %get3A_916] {strides = array<i32>} : memref<320x64xf32, #tpu.memory_space<vmem>>, vector<16xf32>,
        %mul3A_918 = arith.mulf %get3A_914, %get3A_917 : vector<16xf32>
        %add3A_919 = arith.addf %add3A_911, %mul3A_918 : vector<16xf32>
        %get3A_920 = arith.index_cast %add3A_146 : i32 to index
        %get3A_921 = arith.constant 48 : index
        %get3A_922 = tpu.vector_load %arg12[%get3A_920, %get3A_921] {strides = array<i32>} : memref<512x64xf32, #tpu.memory_space<vmem>>, vector<16xf32>,
        %get3A_923 = arith.index_cast %add3A_896 : i32 to index
        %get3A_924 = arith.constant 48 : index
        %get3A_925 = tpu.vector_load %arg14[%get3A_923, %get3A_924] {strides = array<i32>} : memref<320x64xf32, #tpu.memory_space<vmem>>, vector<16xf32>,
        %mul3A_926 = arith.mulf %get3A_922, %get3A_925 : vector<16xf32>
        %add3A_927 = arith.addf %add3A_919, %mul3A_926 : vector<16xf32>
        %reduce_sum3A_928 = arith.constant true
        %reduce_sum3A_929 = vector.broadcast %reduce_sum3A_928 : i1 to vector<16xi1>
        %reduce_sum3A_930 = tpu.scan <sum>, %add3A_927 masked %reduce_sum3A_929 : vector<16xf32>, vector<16xi1> -> vector<16xf32>
        %reduce_sum3A_931 = vector.extract %reduce_sum3A_930[15] : f32 from vector<16xf32>
        %broadcast_in_dim3A_932 = vector.broadcast %reduce_sum3A_931 : f32 to vector<16xf32>
        %select_n3A_933 = arith.select %eq3A_892, %broadcast_in_dim3A_932, %broadcast_in_dim3A_185 : vector<16xi1>, vector<16xf32>
        %eq3A_934 = arith.constant 1 : i32
        %eq3A_935 = vector.broadcast %eq3A_934 : i32 to vector<16xi32>
        %eq3A_936 = arith.cmpi eq, %iota3A, %eq3A_935 : vector<16xi32>
        %mul3A_937 = arith.constant 20 : i32
        %mul3A_938 = arith.muli %scan3A_144, %mul3A_937 : i32
        %add3A_939 = arith.constant 17 : i32
        %add3A_940 = arith.addi %mul3A_938, %add3A_939 : i32
        %get3A_941 = arith.index_cast %add3A_146 : i32 to index
        %get3A_942 = arith.constant 0 : index
        %get3A_943 = tpu.vector_load %arg12[%get3A_941, %get3A_942] {strides = array<i32>} : memref<512x64xf32, #tpu.memory_space<vmem>>, vector<16xf32>,
        %get3A_944 = arith.index_cast %add3A_940 : i32 to index
        %get3A_945 = arith.constant 0 : index
        %get3A_946 = tpu.vector_load %arg14[%get3A_944, %get3A_945] {strides = array<i32>} : memref<320x64xf32, #tpu.memory_space<vmem>>, vector<16xf32>,
        %mul3A_947 = arith.mulf %get3A_943, %get3A_946 : vector<16xf32>
        %get3A_948 = arith.index_cast %add3A_146 : i32 to index
        %get3A_949 = arith.constant 16 : index
        %get3A_950 = tpu.vector_load %arg12[%get3A_948, %get3A_949] {strides = array<i32>} : memref<512x64xf32, #tpu.memory_space<vmem>>, vector<16xf32>,
        %get3A_951 = arith.index_cast %add3A_940 : i32 to index
        %get3A_952 = arith.constant 16 : index
        %get3A_953 = tpu.vector_load %arg14[%get3A_951, %get3A_952] {strides = array<i32>} : memref<320x64xf32, #tpu.memory_space<vmem>>, vector<16xf32>,
        %mul3A_954 = arith.mulf %get3A_950, %get3A_953 : vector<16xf32>
        %add3A_955 = arith.addf %mul3A_947, %mul3A_954 : vector<16xf32>
        %get3A_956 = arith.index_cast %add3A_146 : i32 to index
        %get3A_957 = arith.constant 32 : index
        %get3A_958 = tpu.vector_load %arg12[%get3A_956, %get3A_957] {strides = array<i32>} : memref<512x64xf32, #tpu.memory_space<vmem>>, vector<16xf32>,
        %get3A_959 = arith.index_cast %add3A_940 : i32 to index
        %get3A_960 = arith.constant 32 : index
        %get3A_961 = tpu.vector_load %arg14[%get3A_959, %get3A_960] {strides = array<i32>} : memref<320x64xf32, #tpu.memory_space<vmem>>, vector<16xf32>,
        %mul3A_962 = arith.mulf %get3A_958, %get3A_961 : vector<16xf32>
        %add3A_963 = arith.addf %add3A_955, %mul3A_962 : vector<16xf32>
        %get3A_964 = arith.index_cast %add3A_146 : i32 to index
        %get3A_965 = arith.constant 48 : index
        %get3A_966 = tpu.vector_load %arg12[%get3A_964, %get3A_965] {strides = array<i32>} : memref<512x64xf32, #tpu.memory_space<vmem>>, vector<16xf32>,
        %get3A_967 = arith.index_cast %add3A_940 : i32 to index
        %get3A_968 = arith.constant 48 : index
        %get3A_969 = tpu.vector_load %arg14[%get3A_967, %get3A_968] {strides = array<i32>} : memref<320x64xf32, #tpu.memory_space<vmem>>, vector<16xf32>,
        %mul3A_970 = arith.mulf %get3A_966, %get3A_969 : vector<16xf32>
        %add3A_971 = arith.addf %add3A_963, %mul3A_970 : vector<16xf32>
        %reduce_sum3A_972 = arith.constant true
        %reduce_sum3A_973 = vector.broadcast %reduce_sum3A_972 : i1 to vector<16xi1>
        %reduce_sum3A_974 = tpu.scan <sum>, %add3A_971 masked %reduce_sum3A_973 : vector<16xf32>, vector<16xi1> -> vector<16xf32>
        %reduce_sum3A_975 = vector.extract %reduce_sum3A_974[15] : f32 from vector<16xf32>
        %broadcast_in_dim3A_976 = vector.broadcast %reduce_sum3A_975 : f32 to vector<16xf32>
        %select_n3A_977 = arith.select %eq3A_936, %broadcast_in_dim3A_976, %select_n3A_933 : vector<16xi1>, vector<16xf32>
        %eq3A_978 = arith.constant 2 : i32
        %eq3A_979 = vector.broadcast %eq3A_978 : i32 to vector<16xi32>
        %eq3A_980 = arith.cmpi eq, %iota3A, %eq3A_979 : vector<16xi32>
        %mul3A_981 = arith.constant 20 : i32
        %mul3A_982 = arith.muli %scan3A_144, %mul3A_981 : i32
        %add3A_983 = arith.constant 18 : i32
        %add3A_984 = arith.addi %mul3A_982, %add3A_983 : i32
        %get3A_985 = arith.index_cast %add3A_146 : i32 to index
        %get3A_986 = arith.constant 0 : index
        %get3A_987 = tpu.vector_load %arg12[%get3A_985, %get3A_986] {strides = array<i32>} : memref<512x64xf32, #tpu.memory_space<vmem>>, vector<16xf32>,
        %get3A_988 = arith.index_cast %add3A_984 : i32 to index
        %get3A_989 = arith.constant 0 : index
        %get3A_990 = tpu.vector_load %arg14[%get3A_988, %get3A_989] {strides = array<i32>} : memref<320x64xf32, #tpu.memory_space<vmem>>, vector<16xf32>,
        %mul3A_991 = arith.mulf %get3A_987, %get3A_990 : vector<16xf32>
        %get3A_992 = arith.index_cast %add3A_146 : i32 to index
        %get3A_993 = arith.constant 16 : index
        %get3A_994 = tpu.vector_load %arg12[%get3A_992, %get3A_993] {strides = array<i32>} : memref<512x64xf32, #tpu.memory_space<vmem>>, vector<16xf32>,
        %get3A_995 = arith.index_cast %add3A_984 : i32 to index
        %get3A_996 = arith.constant 16 : index
        %get3A_997 = tpu.vector_load %arg14[%get3A_995, %get3A_996] {strides = array<i32>} : memref<320x64xf32, #tpu.memory_space<vmem>>, vector<16xf32>,
        %mul3A_998 = arith.mulf %get3A_994, %get3A_997 : vector<16xf32>
        %add3A_999 = arith.addf %mul3A_991, %mul3A_998 : vector<16xf32>
        %get3A_1000 = arith.index_cast %add3A_146 : i32 to index
        %get3A_1001 = arith.constant 32 : index
        %get3A_1002 = tpu.vector_load %arg12[%get3A_1000, %get3A_1001] {strides = array<i32>} : memref<512x64xf32, #tpu.memory_space<vmem>>, vector<16xf32>,
        %get3A_1003 = arith.index_cast %add3A_984 : i32 to index
        %get3A_1004 = arith.constant 32 : index
        %get3A_1005 = tpu.vector_load %arg14[%get3A_1003, %get3A_1004] {strides = array<i32>} : memref<320x64xf32, #tpu.memory_space<vmem>>, vector<16xf32>,
        %mul3A_1006 = arith.mulf %get3A_1002, %get3A_1005 : vector<16xf32>
        %add3A_1007 = arith.addf %add3A_999, %mul3A_1006 : vector<16xf32>
        %get3A_1008 = arith.index_cast %add3A_146 : i32 to index
        %get3A_1009 = arith.constant 48 : index
        %get3A_1010 = tpu.vector_load %arg12[%get3A_1008, %get3A_1009] {strides = array<i32>} : memref<512x64xf32, #tpu.memory_space<vmem>>, vector<16xf32>,
        %get3A_1011 = arith.index_cast %add3A_984 : i32 to index
        %get3A_1012 = arith.constant 48 : index
        %get3A_1013 = tpu.vector_load %arg14[%get3A_1011, %get3A_1012] {strides = array<i32>} : memref<320x64xf32, #tpu.memory_space<vmem>>, vector<16xf32>,
        %mul3A_1014 = arith.mulf %get3A_1010, %get3A_1013 : vector<16xf32>
        %add3A_1015 = arith.addf %add3A_1007, %mul3A_1014 : vector<16xf32>
        %reduce_sum3A_1016 = arith.constant true
        %reduce_sum3A_1017 = vector.broadcast %reduce_sum3A_1016 : i1 to vector<16xi1>
        %reduce_sum3A_1018 = tpu.scan <sum>, %add3A_1015 masked %reduce_sum3A_1017 : vector<16xf32>, vector<16xi1> -> vector<16xf32>
        %reduce_sum3A_1019 = vector.extract %reduce_sum3A_1018[15] : f32 from vector<16xf32>
        %broadcast_in_dim3A_1020 = vector.broadcast %reduce_sum3A_1019 : f32 to vector<16xf32>
        %select_n3A_1021 = arith.select %eq3A_980, %broadcast_in_dim3A_1020, %select_n3A_977 : vector<16xi1>, vector<16xf32>
        %eq3A_1022 = arith.constant 3 : i32
        %eq3A_1023 = vector.broadcast %eq3A_1022 : i32 to vector<16xi32>
        %eq3A_1024 = arith.cmpi eq, %iota3A, %eq3A_1023 : vector<16xi32>
        %mul3A_1025 = arith.constant 20 : i32
        %mul3A_1026 = arith.muli %scan3A_144, %mul3A_1025 : i32
        %add3A_1027 = arith.constant 19 : i32
        %add3A_1028 = arith.addi %mul3A_1026, %add3A_1027 : i32
        %get3A_1029 = arith.index_cast %add3A_146 : i32 to index
        %get3A_1030 = arith.constant 0 : index
        %get3A_1031 = tpu.vector_load %arg12[%get3A_1029, %get3A_1030] {strides = array<i32>} : memref<512x64xf32, #tpu.memory_space<vmem>>, vector<16xf32>,
        %get3A_1032 = arith.index_cast %add3A_1028 : i32 to index
        %get3A_1033 = arith.constant 0 : index
        %get3A_1034 = tpu.vector_load %arg14[%get3A_1032, %get3A_1033] {strides = array<i32>} : memref<320x64xf32, #tpu.memory_space<vmem>>, vector<16xf32>,
        %mul3A_1035 = arith.mulf %get3A_1031, %get3A_1034 : vector<16xf32>
        %get3A_1036 = arith.index_cast %add3A_146 : i32 to index
        %get3A_1037 = arith.constant 16 : index
        %get3A_1038 = tpu.vector_load %arg12[%get3A_1036, %get3A_1037] {strides = array<i32>} : memref<512x64xf32, #tpu.memory_space<vmem>>, vector<16xf32>,
        %get3A_1039 = arith.index_cast %add3A_1028 : i32 to index
        %get3A_1040 = arith.constant 16 : index
        %get3A_1041 = tpu.vector_load %arg14[%get3A_1039, %get3A_1040] {strides = array<i32>} : memref<320x64xf32, #tpu.memory_space<vmem>>, vector<16xf32>,
        %mul3A_1042 = arith.mulf %get3A_1038, %get3A_1041 : vector<16xf32>
        %add3A_1043 = arith.addf %mul3A_1035, %mul3A_1042 : vector<16xf32>
        %get3A_1044 = arith.index_cast %add3A_146 : i32 to index
        %get3A_1045 = arith.constant 32 : index
        %get3A_1046 = tpu.vector_load %arg12[%get3A_1044, %get3A_1045] {strides = array<i32>} : memref<512x64xf32, #tpu.memory_space<vmem>>, vector<16xf32>,
        %get3A_1047 = arith.index_cast %add3A_1028 : i32 to index
        %get3A_1048 = arith.constant 32 : index
        %get3A_1049 = tpu.vector_load %arg14[%get3A_1047, %get3A_1048] {strides = array<i32>} : memref<320x64xf32, #tpu.memory_space<vmem>>, vector<16xf32>,
        %mul3A_1050 = arith.mulf %get3A_1046, %get3A_1049 : vector<16xf32>
        %add3A_1051 = arith.addf %add3A_1043, %mul3A_1050 : vector<16xf32>
        %get3A_1052 = arith.index_cast %add3A_146 : i32 to index
        %get3A_1053 = arith.constant 48 : index
        %get3A_1054 = tpu.vector_load %arg12[%get3A_1052, %get3A_1053] {strides = array<i32>} : memref<512x64xf32, #tpu.memory_space<vmem>>, vector<16xf32>,
        %get3A_1055 = arith.index_cast %add3A_1028 : i32 to index
        %get3A_1056 = arith.constant 48 : index
        %get3A_1057 = tpu.vector_load %arg14[%get3A_1055, %get3A_1056] {strides = array<i32>} : memref<320x64xf32, #tpu.memory_space<vmem>>, vector<16xf32>,
        %mul3A_1058 = arith.mulf %get3A_1054, %get3A_1057 : vector<16xf32>
        %add3A_1059 = arith.addf %add3A_1051, %mul3A_1058 : vector<16xf32>
        %reduce_sum3A_1060 = arith.constant true
        %reduce_sum3A_1061 = vector.broadcast %reduce_sum3A_1060 : i1 to vector<16xi1>
        %reduce_sum3A_1062 = tpu.scan <sum>, %add3A_1059 masked %reduce_sum3A_1061 : vector<16xf32>, vector<16xi1> -> vector<16xf32>
        %reduce_sum3A_1063 = vector.extract %reduce_sum3A_1062[15] : f32 from vector<16xf32>
        %broadcast_in_dim3A_1064 = vector.broadcast %reduce_sum3A_1063 : f32 to vector<16xf32>
        %select_n3A_1065 = arith.select %eq3A_1024, %broadcast_in_dim3A_1064, %select_n3A_1021 : vector<16xi1>, vector<16xf32>
        %mul3A_1066 = arith.constant 20 : i32
        %mul3A_1067 = arith.muli %scan3A_144, %mul3A_1066 : i32
        %add3A_1068 = arith.addi %mul3A_78, %mul3A_1067 : i32
        %add3A_1069 = vector.broadcast %add3A_1068 : i32 to vector<16xi32>
        %add3A_1070 = arith.addi %add3A_1069, %iota3A : vector<16xi32>
        tpu.vector_store_idx %arg16[%add3A_1070], %select_n3A_889 : memref<10240xf32, #tpu.memory_space<vmem>>[vector<16xi32>], vector<16xf32>,
        %add3A_1071 = arith.constant 16 : i32
        %add3A_1072 = arith.addi %add3A_1068, %add3A_1071 : i32
        %add3A_1073 = vector.broadcast %add3A_1072 : i32 to vector<16xi32>
        %add3A_1074 = arith.addi %add3A_1073, %iota3A : vector<16xi32>
        %lt3A = arith.constant 4 : i32
        %lt3A_1075 = vector.broadcast %lt3A : i32 to vector<16xi32>
        %lt3A_1076 = arith.cmpi slt, %iota3A, %lt3A_1075 : vector<16xi32>
        tpu.vector_store_idx %arg16[%add3A_1074], %select_n3A_1065 masked %lt3A_1076 : memref<10240xf32, #tpu.memory_space<vmem>>[vector<16xi32>], vector<16xf32>, vector<16xi1>
        scf.yield %select_n3A : vector<16xf32>
      }
      %scan3A_141 = arith.constant 16 : i32
      %swap3A = arith.index_cast %mul3A_76 : i32 to index
      %swap3A_142 = tpu.vector_load %arg15[%swap3A] {strides = array<i32>} : memref<512xf32, #tpu.memory_space<vmem>>, vector<16xf32>,
      tpu.vector_store %arg15[%swap3A], %scan3A_140 {strides = array<i32>} : memref<512xf32, #tpu.memory_space<vmem>>, vector<16xf32>,
      %scan3A_143 = arith.constant 0 : i32
      scf.yield %scan3A_143 : i32
    }
    %scan3A_72 = arith.constant 32 : i32
    "tpu.region"() ({
      %run_scoped3A = tpu.sem_alloc : memref<!tpu.dma_semaphore, #tpu.memory_space<semaphore_mem>>
      %dma_start3A_73 = tpu.memref_slice %arg7[%mul3A_2] : memref<16384xf32, #tpu.memory_space<hbm>> -> memref<512xf32, #tpu.memory_space<hbm>>
      %dma_start3A_74 = tpu.memref_slice %arg7[%mul3A_2] : memref<16384xf32, #tpu.memory_space<hbm>> -> memref<512xf32, #tpu.memory_space<hbm>>
      tpu.enqueue_dma source(%arg15 : memref<512xf32, #tpu.memory_space<vmem>>) target(%dma_start3A_74 : memref<512xf32, #tpu.memory_space<hbm>>) target_semaphore(%run_scoped3A : memref<!tpu.dma_semaphore, #tpu.memory_space<semaphore_mem>>)
      %dma_wait3A_75 = tpu.memref_slice %arg7[%mul3A_2] : memref<16384xf32, #tpu.memory_space<hbm>> -> memref<512xf32, #tpu.memory_space<hbm>>
      %dma_wait3A_76 = tpu.memref_slice %arg7[%mul3A_2] : memref<16384xf32, #tpu.memory_space<hbm>> -> memref<512xf32, #tpu.memory_space<hbm>>
      tpu.wait_dma2 semaphore(%run_scoped3A : memref<!tpu.dma_semaphore, #tpu.memory_space<semaphore_mem>>) src(%arg15 : memref<512xf32, #tpu.memory_space<vmem>>) dst(%dma_wait3A_76 : memref<512xf32, #tpu.memory_space<hbm>>)
      tpu.yield
    }) : () -> ()
    "tpu.region"() ({
      %run_scoped3A = tpu.sem_alloc : memref<!tpu.dma_semaphore, #tpu.memory_space<semaphore_mem>>
      %dma_start3A_73 = tpu.memref_slice %arg8[%mul3A_4] : memref<327680xf32, #tpu.memory_space<hbm>> -> memref<10240xf32, #tpu.memory_space<hbm>>
      %dma_start3A_74 = tpu.memref_slice %arg8[%mul3A_4] : memref<327680xf32, #tpu.memory_space<hbm>> -> memref<10240xf32, #tpu.memory_space<hbm>>
      tpu.enqueue_dma source(%arg16 : memref<10240xf32, #tpu.memory_space<vmem>>) target(%dma_start3A_74 : memref<10240xf32, #tpu.memory_space<hbm>>) target_semaphore(%run_scoped3A : memref<!tpu.dma_semaphore, #tpu.memory_space<semaphore_mem>>)
      %dma_wait3A_75 = tpu.memref_slice %arg8[%mul3A_4] : memref<327680xf32, #tpu.memory_space<hbm>> -> memref<10240xf32, #tpu.memory_space<hbm>>
      %dma_wait3A_76 = tpu.memref_slice %arg8[%mul3A_4] : memref<327680xf32, #tpu.memory_space<hbm>> -> memref<10240xf32, #tpu.memory_space<hbm>>
      tpu.wait_dma2 semaphore(%run_scoped3A : memref<!tpu.dma_semaphore, #tpu.memory_space<semaphore_mem>>) src(%arg16 : memref<10240xf32, #tpu.memory_space<vmem>>) dst(%dma_wait3A_76 : memref<10240xf32, #tpu.memory_space<hbm>>)
      tpu.yield
    }) : () -> ()
    return
  }
}

module attributes {stable_mosaic.version = 14 : i64} {
  func.func @_loss_body(%arg0: memref<128x128xf32, #tpu.memory_space<vmem>>, %arg1: memref<2560x128xf32, #tpu.memory_space<vmem>>, %arg2: memref<1x1xf32, #tpu.memory_space<smem>>) attributes {dimension_semantics = [], scalar_prefetch = 0 : i64, scratch_operands = 0 : i64, tpu.core_type = #tpu.core_type<tc>} {
    %get3A = arith.constant 0 : index
    %get3A_0 = arith.constant 0 : index
    %get3A_1 = vector.load %arg0[%get3A, %get3A_0] : memref<128x128xf32, #tpu.memory_space<vmem>>, vector<128x128xf32>
    %min3A = arith.constant 0.000000e+00 : f32
    %min3A_2 = vector.broadcast %min3A : f32 to vector<128x128xf32>
    %min3A_3 = arith.minimumf %get3A_1, %min3A_2 : vector<128x128xf32>
    %abs3A = math.absf %get3A_1 : vector<128x128xf32>
    %neg3A = arith.constant 0.000000e+00 : f32
    %neg3A_4 = vector.broadcast %neg3A : f32 to vector<128x128xf32>
    %neg3A_5 = arith.subf %neg3A_4, %abs3A : vector<128x128xf32>
    %exp3A = math.exp %neg3A_5 : vector<128x128xf32>
    %log1p3A = math.log1p %exp3A : vector<128x128xf32>
    %sub3A = arith.subf %min3A_3, %log1p3A : vector<128x128xf32>
    %reduce_sum3A = vector.shape_cast %sub3A : vector<128x128xf32> to vector<1x128x128xf32>
    %reduce_sum3A_6 = arith.constant dense<0.000000e+00> : vector<1xf32>
    %reduce_sum3A_7 = vector.multi_reduction <add>, %reduce_sum3A, %reduce_sum3A_6 [1, 2] : vector<1x128x128xf32> to vector<1xf32>
    %reduce_sum3A_8 = vector.shape_cast %reduce_sum3A_7 : vector<1xf32> to vector<1x1x1xf32>
    %reduce_sum3A_9 = vector.extract %reduce_sum3A_8[0, 0, 0] : f32 from vector<1x1x1xf32>
    %get3A_10 = arith.constant 0 : index
    %get3A_11 = arith.constant 0 : index
    %get3A_12 = vector.load %arg1[%get3A_10, %get3A_11] : memref<2560x128xf32, #tpu.memory_space<vmem>>, vector<2560x128xf32>
    %neg3A_13 = arith.constant 0.000000e+00 : f32
    %neg3A_14 = vector.broadcast %neg3A_13 : f32 to vector<2560x128xf32>
    %neg3A_15 = arith.subf %neg3A_14, %get3A_12 : vector<2560x128xf32>
    %min3A_16 = arith.constant 0.000000e+00 : f32
    %min3A_17 = vector.broadcast %min3A_16 : f32 to vector<2560x128xf32>
    %min3A_18 = arith.minimumf %neg3A_15, %min3A_17 : vector<2560x128xf32>
    %abs3A_19 = math.absf %neg3A_15 : vector<2560x128xf32>
    %neg3A_20 = arith.constant 0.000000e+00 : f32
    %neg3A_21 = vector.broadcast %neg3A_20 : f32 to vector<2560x128xf32>
    %neg3A_22 = arith.subf %neg3A_21, %abs3A_19 : vector<2560x128xf32>
    %exp3A_23 = math.exp %neg3A_22 : vector<2560x128xf32>
    %log1p3A_24 = math.log1p %exp3A_23 : vector<2560x128xf32>
    %sub3A_25 = arith.subf %min3A_18, %log1p3A_24 : vector<2560x128xf32>
    %reduce_sum3A_26 = vector.shape_cast %sub3A_25 : vector<2560x128xf32> to vector<1x2560x128xf32>
    %reduce_sum3A_27 = arith.constant dense<0.000000e+00> : vector<1xf32>
    %reduce_sum3A_28 = vector.multi_reduction <add>, %reduce_sum3A_26, %reduce_sum3A_27 [1, 2] : vector<1x2560x128xf32> to vector<1xf32>
    %reduce_sum3A_29 = vector.shape_cast %reduce_sum3A_28 : vector<1xf32> to vector<1x1x1xf32>
    %reduce_sum3A_30 = vector.extract %reduce_sum3A_29[0, 0, 0] : f32 from vector<1x1x1xf32>
    %add3A = arith.addf %reduce_sum3A_9, %reduce_sum3A_30 : f32
    %neg3A_31 = arith.constant 0.000000e+00 : f32
    %neg3A_32 = arith.subf %neg3A_31, %add3A : f32
    %div3A = arith.constant 1.638400e+04 : f32
    %div3A_33 = arith.divf %neg3A_32, %div3A : f32
    %swap3A = arith.constant 0 : index
    %swap3A_34 = arith.constant 0 : index
    %swap3A_35 = memref.load %arg2[%swap3A, %swap3A_34] : memref<1x1xf32, #tpu.memory_space<smem>>
    memref.store %div3A_33, %arg2[%swap3A, %swap3A_34] : memref<1x1xf32, #tpu.memory_space<smem>>
    return
  }
}

</mosaic_0001>

<sc_bundles>
// kernel: kernel.4.cloned.1.call-start
scs
__scs_entry_jumppad:
0x0: {  	(pc) =	sbr.rel $0x88, $3  }
0x1: {  	(tag) =	ssettag $0x0;
	lr =	simm.s32 $0x1  }
0x2: {  	[smem:$0x3F9C] =	sst lr;
	_ =	strace $0xD0000000  }
0x3: {  	_ = 	snop  }
0x4: {  	_ = 	snop  }
0x5: {  	_ = 	snop  }
0x6: {  	_ = 	snop  }
0x7: {  	_ = 	snop  }
__scs_overlays_trampoline_lowered:
0x8: {  	[smem:$0x3FAB] =	sst s0  }
0x9: {  	[smem:$0x3FAC] =	sst s1  }
0xa: {  	[smem:$0x3FAD] =	sst s2  }
0xb: {  	[smem:$0x3FAE] =	sst s3  }
0xc: {  	[smem:$0x3FAF] =	sst s4  }
0xd: {  	[smem:$0x3FB0] =	sst s5  }
0xe: {  	[smem:$0x3FB1] =	sst s6  }
0xf: {  	[smem:$0x3FB2] =	sst s7  }
0x10: {  	[smem:$0x3FB3] =	sst s8  }
0x11: {  	[smem:$0x3FB4] =	sst s9;
	s0 =	simm.s32 @!p0 $0x0  }
0x12: {  	s1 =	sld [smem:$0x3F9A];
	s0 =	simm.s32 @p0 $0x1  }
0x13: {  	[smem:$0x3FB5] =	sst s0;
	s0 =	simm.s32 @!p1 $0x0  }
0x14: {  	s2 =	sld [smem:$0x3F99];
	s0 =	simm.s32 @p1 $0x1  }
0x15: {  	[smem:$0x3FB6] =	sst s0;
	s0 =	simm.s32 @!p2 $0x0  }
0x16: {  	s3 =	sld [smem:$0x3FDB];
	s0 =	simm.s32 @p2 $0x1  }
0x17: {  	s4 =	simm.s32 $0x1BF5;
	[smem:$0x3FB8] =	sst s0  }
0x18: {  	s0 =	sld [smem:$0x3F9B];
	_ =	swait.ge [sflag:s4], $0x0  }
0x19: {  	s7 =	sld [smem:$0x3F9C]  }
0x1a: {  	s8 =	sadd.s32 $0xFFFFE003, lr  }
0x1b: {  	s9 =	sadd.s32 $0xFFFFFEF7, lr;
	s5 =	simm.s32 $0xFFFFFFFF;
	p2 =	slt.u32 s8, $0xFFFFF086  }
0x1c: {  	p1 =	slt.u32 s9, $0xF7A;
	s5 =	simm.s32 @!p2 $0x0  }
0x1d: {  	s5 =	simm.s32 @p1 $0x1;
	p0 =	seq.s32 s7, s2  }
0x1e: {  	s7 =	smul.u32 @!p0 $0xF7A, s2;
	p2 =	seq.s32 @!p0 s5, $0x0  }
0x1f: {  	s9 =	smul.u32 $0xF7A, s1;
	s8 =	simm.s32 @!p0 $0x1BF5;
	p2 =	por !p2, p0  }
0x20: {  	[sflag:s8] =	ssyncset.s32 @!p0 $0xFFFFF086;
	s6 =	sadd.s32 @!p0 s3, s7;
	s7 =	simm.s32 @!p0 $0x108  }
0x21: {  	s3 =	sadd.s32 s3, s9;
	s6 =	sadd.s32 @!p0 $0x88, s6;
	s7 =	simm.s32 @p2 $0x1082  }
0x22: {  	[simem:s7], [sflag:s8] =	dma.local @!p0 [hbm:s6], $0xF7A  }
0x23: {  	s9 =	sor.u32 $0xD0000000, s2;
	s6 =	simm.s32 $0x108;
	_ =	swait.ge @!p0 [sflag:s8], $0x0  }
0x24: {  	s3 =	sadd.s32 $0x88, s3;
	s6 =	simm.s32 @!p1 $0x1082;
	[sflag:s4] =	ssyncset.s32 $0xFFFFF086  }
0x25: {  	[simem:s6], [sflag:s4] =	dma.local [hbm:s3], $0xF7A  }
0x26: {  	[smem:$0x3F9C] =	sst s1;
	(tag) =	ssettag s2;
	_ =	strace s9  }
0x27: {  	s1 =	sld [smem:$0x3FAC]  }
0x28: {  	s2 =	sld [smem:$0x3FAD]  }
0x29: {  	s4 =	sld [smem:$0x3FAF]  }
0x2a: {  	p0 =	seq.s32 s5, $0x0;
	s5 =	sld [smem:$0x3FB0]  }
0x2b: {  	s6 =	sld [smem:$0x3FB1]  }
0x2c: {  	s7 =	sld [smem:$0x3FB2]  }
0x2d: {  	s3 =	simm.s32 $0x108;
	s8 =	sld [smem:$0x3FB3]  }
0x2e: {  	s3 =	simm.s32 @!p0 $0x1082;
	s9 =	sld [smem:$0x3FB4]  }
0x2f: {  	lr =	sadd.s32 s0, s3;
	s0 =	sld [smem:$0x3FAB]  }
0x30: {  	s3 =	sld [smem:$0x3FAE]  }
0x31: {  	[smem:$0x3FB7] =	sst s10  }
0x32: {  	s10 =	sld [smem:$0x3FB5];
	_ =	sdelay $0x3  }
0x33: {  	p0 =	seq.s32 s10, $0x1;
	s10 =	sld [smem:$0x3FB7];
	_ =	sdelay $0x3  }
0x34: {  	[smem:$0x3FB7] =	sst s10  }
0x35: {  	s10 =	sld [smem:$0x3FB6];
	_ =	sdelay $0x3  }
0x36: {  	p1 =	seq.s32 s10, $0x1;
	s10 =	sld [smem:$0x3FB7];
	_ =	sdelay $0x3  }
0x37: {  	[smem:$0x3FB7] =	sst s10  }
0x38: {  	s10 =	sld [smem:$0x3FB8]  }
0x39: {  	_ = 	snop;
	(pc) =	sbr.ind lr, $3  }
0x3a: {  	_ = 	snop  }
0x3b: {  	_ = 	snop  }
0x3c: {  	p2 =	seq.s32 s10, $0x1;
	s10 =	sld [smem:$0x3FB7]  }
0x3d: {  	_ =	shalt  }
0x3e: {  	_ =	shalt  }
0x3f: {  	_ =	shalt  }
0x40: {  	_ =	shalt  }
0x41: {  	_ =	shalt  }
0x42: {  	_ =	shalt  }
0x43: {  	_ =	shalt  }
0x44: {  	_ =	shalt  }
0x45: {  	_ =	shalt  }
0x46: {  	_ =	shalt  }
0x47: {  	_ =	shalt  }
0x48: {  	_ =	shalt  }
0x49: {  	_ =	shalt  }
0x4a: {  	_ =	shalt  }
0x4b: {  	_ =	shalt  }
0x4c: {  	_ =	shalt  }
0x4d: {  	_ =	shalt  }
0x4e: {  	_ =	shalt  }
0x4f: {  	_ =	shalt  }
0x50: {  	_ =	shalt  }
0x51: {  	_ =	shalt  }
0x52: {  	_ =	shalt  }
0x53: {  	_ =	shalt  }
0x54: {  	_ =	shalt  }
0x55: {  	_ =	shalt  }
0x56: {  	_ =	shalt  }
0x57: {  	_ =	shalt  }
0x58: {  	_ =	shalt  }
0x59: {  	_ =	shalt  }
0x5a: {  	_ =	shalt  }
0x5b: {  	_ =	shalt  }
0x5c: {  	_ =	shalt  }
0x5d: {  	_ =	shalt  }
0x5e: {  	_ =	shalt  }
0x5f: {  	_ =	shalt  }
0x60: {  	_ =	shalt  }
0x61: {  	_ =	shalt  }
0x62: {  	_ =	shalt  }
0x63: {  	_ =	shalt  }
0x64: {  	_ =	shalt  }
0x65: {  	_ =	shalt  }
0x66: {  	_ =	shalt  }
0x67: {  	_ =	shalt  }
0x68: {  	_ =	shalt  }
0x69: {  	_ =	shalt  }
0x6a: {  	_ =	shalt  }
0x6b: {  	_ =	shalt  }
0x6c: {  	_ =	shalt  }
0x6d: {  	_ =	shalt  }
0x6e: {  	_ =	shalt  }
0x6f: {  	_ =	shalt  }
0x70: {  	_ =	shalt  }
0x71: {  	_ =	shalt  }
0x72: {  	_ =	shalt  }
0x73: {  	_ =	shalt  }
0x74: {  	_ =	shalt  }
0x75: {  	_ =	shalt  }
0x76: {  	_ =	shalt  }
0x77: {  	_ =	shalt  }
0x78: {  	_ =	shalt  }
0x79: {  	_ =	shalt  }
0x7a: {  	_ =	shalt  }
0x7b: {  	_ =	shalt  }
0x7c: {  	_ =	shalt  }
0x7d: {  	_ =	shalt  }
0x7e: {  	_ =	shalt  }
0x7f: {  	_ =	shalt  }
0x80: {  	_ =	shalt  }
0x81: {  	_ =	shalt  }
0x82: {  	_ =	shalt  }
0x83: {  	_ =	shalt  }
0x84: {  	_ =	shalt  }
0x85: {  	_ =	shalt  }
0x86: {  	_ =	shalt  }
0x87: {  	_ =	shalt  }
.Lfunc_end0:
.L_simem_size_0:
called_computation_lowered:
.L_overlay_start_0:
0x88: {  	s2 =	sld [smem:$0x3FD9]  }
0x89: {  	s3 =	sld [smem:$0x3FFE];
	_ =	sdelay $0x1  }
0x8a: {  	s1 =	srdreg.scid  }
0x8b: {  	s0 =	sand.u32 $0x1, s1  }
0x8c: {  	s17 =	sshll.u32 s0, $0xA;
	s2 =	sadd.s32 s3, s2  }
0x8d: {  	s2 =	sadd.s32 s2, s17  }
0x8e: {  	[smem:$0x3FC3] =	sst s2  }
0x8f: {  	_ = 	snop  }
0x90: {  	s2 =	sld [smem:$0x3FC9]  }
0x91: {  	s18 =	sld [smem:$0x3FC8];
	(tm) =	ssettm $0x1  }
0x92: {  	s4 =	sld [smem:$0x3FFB];
	_ =	sdelay $0x3  }
0x93: {  	_ =	strace s4  }
0x94: {  	s4 =	sld [smem:$0x3FFC];
	_ =	sdelay $0x3  }
0x95: {  	_ =	strace s4  }
0x96: {  	s4 =	sld [smem:$0x3FFD];
	_ =	sdelay $0x3  }
0x97: {  	_ =	strace s4  }
0x98: {  	_ =	strace $0x8FFFFFFF  }
0x99: {  	s19 =	sld [smem:$0x3FDB];
	_ =	sdelay $0x1  }
0x9a: {  	s5 =	simm.s32 $_scs_section_size  }
0x9b: {  	s6 =	simm.s32 $_size__tile_overlayer_lowered;
	s7 =	simm.s32 $_tile_overlayer_lowered  }
0x9c: {  	s22 =	simm.s32 $0x1BFF;
	s21 =	sshll.u32 s7, $0x1;
	s4 =	sadd.s32 s5, s19  }
0x9d: {  	s8 =	simm.s32 $0x0;
	s20 =	sshll.u32 s6, $0x1;
	s6 =	sadd.s32 s21, s4  }
0x9e: {  	[timem:s8], [sflag:s22] =	dma.local [hbm:s6], s20  }
0x9f: {  	_ =	swait.ge [sflag:s22], s20  }
0xa0: {  	s5 =	ssub.s32 $0x0, s20;
	[sflag:s22] =	ssyncset.done $0x0  }
0xa1: {  	[sflag:s22] =	ssyncadd.s32 s5;
	_ =	sdelay $0x1  }
0xa2: {  	s23 =	simm.s32 $0x1B8B  }
0xa3: {  	_ =	swait.ge [sflag:s23], $0x1  }
0xa4: {  	[sflag:s23] =	ssyncset.done $0x0  }
0xa5: {  	s25 =	simm.s32 $0x1B8E;
	s24 =	sld [smem:$0x3FFE];
	[sflag:s23] =	ssyncadd.s32 $0xFFFFFFFF  }
0xa6: {  	s26 =	simm.s32 $execute0_lowered;
	[smem:$0x3FD2] =	sst s25  }
0xa7: {  	s6 =	sshll.u32 s26, $0x1;
	_ =	strace $0x80000046;
	[dreg:$0x1] =	wrdreg $0xFFFFFFFF  }
0xa8: {  	s28 =	simm.s32 $_size_execute0_lowered;
	s4 =	sadd.s32 s4, s6;
	[dreg:$0x0] =	wrdreg $0x0  }
0xa9: {  	s6 =	sshll.u32 s28, $0x1;
	[dreg:$0x2] =	wrdreg s4  }
0xaa: {  	[dreg:$0x3] =	wrdreg s6  }
0xab: {  	[dreg:$0x4] =	wrdreg $0xC0  }
0xac: {  	_ =	task [dreg:s8], $0x5FFFF  }
0xad: {  	[dreg:$0x1] =	wrdreg $0xFFFFFFFF  }
0xae: {  	[dreg:$0x0] =	wrdreg $0x60  }
0xaf: {  	[dreg:$0x2] =	wrdreg s2  }
0xb0: {  	[dreg:$0x3] =	wrdreg s18  }
0xb1: {  	[dreg:$0x4] =	wrdreg s24  }
0xb2: {  	[dreg:$0x5] =	wrdreg $0x9  }
0xb3: {  	_ =	task.clear_ibuf [dreg:s8], $0x6FFFF;
	_ =	strace $0x90000046  }
0xb4: {  	s29 =	simm.s32 $0x9;
	_ =	strace $0x80000048  }
0xb5: {  	_ =	swait.ge [sflag:s29], $0x1  }
0xb6: {  	[sflag:s29] =	ssyncadd.s32 $0xFFFFFFFF  }
0xb7: {  	_ =	strace $0x90000048  }
0xb8: {  	_ =	sfence  }
0xb9: {  	s30 =	sld [smem:$0x0];
	_ =	sdelay $0x2  }
0xba: {  	s31 =	sshll.u32 s1, $0xD;
	s1 =	sshrl.u32 s1, $0x2  }
0xbb: {  	s3 =	sand.u32 $0x4000, s31;
	s1 =	sadd.s32 s1, s30  }
0xbc: {  	s0 =	sor.u32 s3, s0;
	s1 =	sshll.u32 s1, $0x11  }
0xbd: {  	s0 =	sor.u32 s1, s0  }
0xbe: {  	s0 =	sadd.s32 $0x8F2B, s0  }
0xbf: {  	[sflag:s0] =	ssyncadd.remote.s32 $0x1  }
0xc0: {  	_ =	sfence.sel $0xFFFF  }
0xc1: {  	[dreg:$0x0] =	wrdreg $0xFFFFFFFF;
	(pc) =	sbr.abs _section_cstart, $3  }
0xc2: {  	[dreg:$0x1] =	wrdreg $0xFFFFFFFF  }
0xc3: {  	_ =	task.clear_ibuf [dreg:s8], $0x2FFFF;
	_ =	strace $0x9FFFFFFF  }
0xc4: {  	(tm) =	ssettm $0x7FFFFFFF  }
0xc5: {  	_ =	shalt  }
tec
execute0_lowered:
.L_overlay_start_1:
0x0: {  	(tag) =	ssettag $0x1  }
0x1: {  	s0 =	rddreg [dreg:$0x0]  }
0x2: {  	s1 =	rddreg [dreg:$0x1]  }
0x3: {  	s5 =	rddreg [dreg:$0x2];
	s2 =	simm.s32 $0x0  }
0x4: {  	s3 =	srdreg.scid;
	s4 =	stileid.u32;
	s14 =	simm.s32 $0x80  }
0x5: {  	s21 =	simm.s32 $0x1;
	s22 =	simm.s32 $0x10;
	s23 =	simm.s32 $0xAC00  }
0x6: {  	s24 =	simm.s32 $0xB000;
	s25 =	simm.s32 $0xD000;
	s28 =	simm.s32 $0xF000  }
0x7: {  	s29 =	simm.s32 $0x10200;
	s31 =	simm.s32 $0x0;
	[smem:$0x7FF] =	sst s2  }
0x8: {  	v0 =	vlaneseq.u32;
	vm14 =	vmmov $0x1;
	vm1 =	vmmov $0x3;
	s6 =	sand.u32 $0x1, s3;
	s26 =	sshll.u32 s4, $0x1;
	s3 =	sadd.s32 $0x16E4400, s5  }
0x9: {  	vm2 =	vmmov $0x7;
	vm3 =	vmmov $0xf;
	vm4 =	vmmov $0x1f;
	s4 =	sadd.s32 $0xF43200, s5;
	_ =	strace $0x80000047;
	s7 =	sor.u32 s6, s26  }
0xa: {  	vm5 =	vmmov $0x3f;
	vm0 =	vmmov $0x7fff;
	v1 =	vimm.s32 $0x0;
	s6 =	ssub.s32 $0x2, s6;
	s8 =	smul.u32 $0x500, s7;
	s7 =	sshll.u32 s7, $0x6  }
0xb: {  	vm6 =	vmmov $0x7f;
	vm7 =	vmmov $0xff;
	v1 =	vsel vm0, $0xFFFFFFFF, v1;
	s26 =	simm.s32 $0x40;
	s30 =	sshrl.u32 s6, $0x1;
	s9 =	sadd.s32 s7, s5  }
0xc: {  	vm8 =	vmmov $0x1ff;
	vm9 =	vmmov $0x3ff;
	[tilespmem:$0x1FFE0] =	vst v1;
	v1 =	vimm.s32 $0x0;
	s11 =	ssub.s32 s6, s30;
	s6 =	sadd.s32 s1, s7;
	s10 =	sadd.s32 s8, s5  }
0xd: {  	vm10 =	vmmov $0x7ff;
	vm11 =	vmmov $0xfff;
	v1 =	vsel vm1, $0xFFFFFFFF, v1;
	s5 =	sadd.s32 s0, s7;
	s8 =	sadd.s32 $0x14E00, s9;
	s7 =	sadd.s32 $0xE00, s10  }
0xe: {  	vm12 =	vmmov $0x1fff;
	vm13 =	vmmov $0x3fff;
	vm15 =	vcmask $0x310;
	[tilespmem:$0x1FFF0] =	vst v1;
	s9 =	sadd.s32 $0xAE00, s10;
	s10 =	smax.u32 s11, $0x1;
	s11 =	simm.s32 $0x2  }
.LBB2_1:
0xf: {  	[tilespmem:s2], [sflag:$0x2] =	stream.linear.gather [hbm4b:s5+s2], $0x200, $0x38;
	[tilespmem:$0x12A00] =	vst v63  }
0x10: {  	_ =	swait.ge [sflag:s11], $0x200  }
0x11: {  	[sflag:s11] =	ssyncset.done $0x0  }
0x12: {  	s0 =	simm.s32 $0x200;
	[sflag:s11] =	ssyncadd.s32 $0xFFFFFE00  }
0x13: {  	[tilespmem:s0], [sflag:$0x2] =	stream.linear.gather [hbm4b:s6+s2], $0x200, $0x38;
	[tilespmem:$0x12A00] =	vst v63  }
0x14: {  	_ =	swait.ge [sflag:s11], $0x200  }
0x15: {  	[sflag:s11] =	ssyncset.done $0x0  }
0x16: {  	s16 =	simm.s32 $0x400;
	[sflag:s11] =	ssyncadd.s32 $0xFFFFFE00  }
0x17: {  	[tilespmem:s16], [sflag:$0x2] =	stream.linear.gather [hbm4b:s7+s2], $0x2800, $0x38;
	[tilespmem:$0x12A00] =	vst v63  }
0x18: {  	_ =	swait.ge [sflag:s11], $0x2800  }
0x19: {  	[sflag:s11] =	ssyncset.done $0x0  }
0x1a: {  	s17 =	simm.s32 $0x2C00;
	[sflag:s11] =	ssyncadd.s32 $0xFFFFD800  }
0x1b: {  	[tilespmem:s17], [sflag:$0x1] =	stream.indirect.gather [hbm4b:s3+s14], $0x40, s2, s14, $0xb8;
	[tilespmem:$0x12A00] =	vst v63  }
0x1c: {  	s18 =	simm.s32 $0x4C00  }
0x1d: {  	[tilespmem:s18], [sflag:$0x1] =	stream.indirect.gather [hbm4b:s3+s14], $0x40, s14, s14, $0xb8;
	[tilespmem:$0x12A00] =	vst v63  }
0x1e: {  	s19 =	simm.s32 $0x100;
	s1 =	simm.s32 $0x6C00  }
0x1f: {  	[tilespmem:s1], [sflag:$0x1] =	stream.indirect.gather [hbm4b:s3+s14], $0x40, s19, s14, $0xb8;
	[tilespmem:$0x12A00] =	vst v63  }
0x20: {  	s20 =	simm.s32 $0x180;
	s30 =	simm.s32 $0x8C00  }
0x21: {  	[tilespmem:s30], [sflag:$0x1] =	stream.indirect.gather [hbm4b:s3+s14], $0x40, s20, s14, $0xb8;
	[tilespmem:$0x12A00] =	vst v63  }
0x22: {  	_ =	swait.ge [sflag:s21], $0x2000  }
0x23: {  	[sflag:s21] =	ssyncset.done $0x0  }
0x24: {  	[sflag:s21] =	ssyncadd.s32 $0xFFFFE000  }
0x25: {  	_ =	swait.ge [sflag:s21], $0x2000  }
0x26: {  	[sflag:s21] =	ssyncset.done $0x0  }
0x27: {  	[sflag:s21] =	ssyncadd.s32 $0xFFFFE000  }
0x28: {  	_ =	swait.ge [sflag:s21], $0x2000  }
0x29: {  	[sflag:s21] =	ssyncset.done $0x0  }
0x2a: {  	[sflag:s21] =	ssyncadd.s32 $0xFFFFE000  }
0x2b: {  	_ =	swait.ge [sflag:s21], $0x2000  }
0x2c: {  	s12 =	simm.s32 $0x0;
	[sflag:s21] =	ssyncset.done $0x0  }
0x2d: {  	s0 =	simm.s32 $0x2C20;
	s19 =	simm.s32 $0x10;
	[sflag:s21] =	ssyncadd.s32 $0xFFFFE000  }
.LBB2_2:
0x2e: {  	s13 =	sshll.u32 s12, $0x4  }
0x2f: {  	s1 =	smul.u32 $0x140, s12;
	s15 =	sadd.s32 $0x200, s13  }
0x30: {  	[tilespmem:s23], [sflag:$0x1] =	stream.indirect.gather [hbm4b:s4+s22], $0x40, s15, s22, $0xb8;
	[tilespmem:$0x12A00] =	vst v63  }
0x31: {  	s16 =	sadd.s32 $0x400, s1  }
0x32: {  	[tilespmem:s24], [sflag:$0x1] =	stream.indirect.gather [hbm4b:s4+s14], $0x40, s16, s14, $0xb8;
	[tilespmem:$0x12A00] =	vst v63  }
0x33: {  	s17 =	sadd.s32 $0x480, s1  }
0x34: {  	[tilespmem:s25], [sflag:$0x1] =	stream.indirect.gather [hbm4b:s4+s14], $0x40, s17, s14, $0xb8;
	[tilespmem:$0x12A00] =	vst v63  }
0x35: {  	s1 =	sadd.s32 $0x500, s1  }
0x36: {  	[tilespmem:s28], [sflag:$0x1] =	stream.indirect.gather [hbm4b:s4+s26], $0x40, s1, s26, $0xb8;
	[tilespmem:$0x12A00] =	vst v63  }
0x37: {  	_ =	swait.ge [sflag:s21], $0x400  }
0x38: {  	[sflag:s21] =	ssyncset.done $0x0  }
0x39: {  	[sflag:s21] =	ssyncadd.s32 $0xFFFFFC00  }
0x3a: {  	_ =	swait.ge [sflag:s21], $0x2000  }
0x3b: {  	[sflag:s21] =	ssyncset.done $0x0  }
0x3c: {  	[sflag:s21] =	ssyncadd.s32 $0xFFFFE000  }
0x3d: {  	_ =	swait.ge [sflag:s21], $0x2000  }
0x3e: {  	[sflag:s21] =	ssyncset.done $0x0  }
0x3f: {  	[sflag:s21] =	ssyncadd.s32 $0xFFFFE000  }
0x40: {  	_ =	swait.ge [sflag:s21], $0x1000  }
0x41: {  	[sflag:s21] =	ssyncset.done $0x0  }
0x42: {  	s18 =	simm.s32 $0xB280;
	[sflag:s21] =	ssyncadd.s32 $0xFFFFF000  }
0x43: {  	v4 =	vld [tilespmem:s18+$0x170]  }
0x44: {  	v6 =	vld [tilespmem:s18+$0x160]  }
0x45: {  	v7 =	vld [tilespmem:s18+$0x230]  }
0x46: {  	v11 =	vld [tilespmem:s18+$0x130]  }
0x47: {  	v12 =	vld [tilespmem:s18+$0x140]  }
0x48: {  	v13 =	vld [tilespmem:s18+$0x150]  }
0x49: {  	v14 =	vld [tilespmem:s18+$0x1F0]  }
0x4a: {  	v15 =	vld [tilespmem:s18+$0x220]  }
0x4b: {  	v1 =	vld [tilespmem:s18+$0x240]  }
0x4c: {  	v16 =	vld [tilespmem:s18+$0xF0]  }
0x4d: {  	v17 =	vld [tilespmem:s18+$0x120]  }
0x4e: {  	v18 =	vld [tilespmem:s18+$0x1E0]  }
0x4f: {  	v19 =	vld [tilespmem:s18+$0x200]  }
0x50: {  	v20 =	vld [tilespmem:s18+$0x210]  }
0x51: {  	v21 =	vld [tilespmem:s18+$0xB0]  }
0x52: {  	v22 =	vld [tilespmem:s18+$0xE0]  }
0x53: {  	v23 =	vld [tilespmem:s18+$0x100]  }
0x54: {  	v24 =	vld [tilespmem:s18+$0x110]  }
0x55: {  	v25 =	vld [tilespmem:s18+$0x1C0]  }
0x56: {  	v26 =	vld [tilespmem:s18+$0x1D0]  }
0x57: {  	v27 =	vld [tilespmem:s18+$0x70]  }
0x58: {  	v28 =	vld [tilespmem:s18+$0xA0]  }
0x59: {  	v9 =	vld [tilespmem:s0+$0xFFFFFFE0]  }
0x5a: {  	v10 =	vld [tilespmem:s0+$0xFFFFFFF0]  }
0x5b: {  	v29 =	vld [tilespmem:s18+$0xC0]  }
0x5c: {  	v8 =	vld [tilespmem:s0+$0x0]  }
0x5d: {  	v30 =	vld [tilespmem:s18+$0xD0]  }
0x5e: {  	v5 =	vld [tilespmem:s0+$0x10]  }
0x5f: {  	v2 =	vld [tilespmem:s18+$0x180]  }
0x60: {  	v31 =	vld [tilespmem:s18+$0x60]  }
0x61: {  	v32 =	vld [tilespmem:s18+$0x80]  }
0x62: {  	v33 =	vld [tilespmem:s18+$0x90]  }
0x63: {  	v34 =	vld [tilespmem:s18+$0xFFFFFFF0]  }
0x64: {  	v35 =	vld [tilespmem:s18+$0x40]  }
0x65: {  	v36 =	vld [tilespmem:s18+$0x50]  }
0x66: {  	v37 =	vld [tilespmem:s18+$0xFFFFFFB0]  }
0x67: {  	v38 =	vld [tilespmem:s18+$0xFFFFFFE0]  }
0x68: {  	v3 =	vld [tilespmem:s18+$0x0]  }
0x69: {  	v39 =	vld [tilespmem:s18+$0xFFFFFFA0];
	v12 =	vmul.f32 v12, v9  }
0x6a: {  	v40 =	vld [tilespmem:s18+$0xFFFFFFC0];
	v13 =	vmul.f32 v13, v10;
	v6 =	vmul.f32 v6, v8  }
0x6b: {  	v41 =	vld [tilespmem:s18+$0xFFFFFF30];
	v23 =	vmul.f32 v23, v9;
	v24 =	vmul.f32 v24, v10  }
0x6c: {  	v47 =	vld [tilespmem:s18+$0xFFFFFED0];
	v4 =	vmul.f32 v4, v5;
	v17 =	vmul.f32 v17, v8  }
0x6d: {  	v48 =	vld [tilespmem:s18+$0xFFFFFE80];
	v11 =	vmul.f32 v11, v5;
	v15 =	vmul.f32 v15, v8;
	v12 =	vadd.f32 v13, v12  }
0x6e: {  	v49 =	vld [tilespmem:s18+$0xFFFFFE00];
	v7 =	vmul.f32 v7, v5;
	v16 =	vmul.f32 v16, v5;
	v23 =	vadd.f32 v24, v23  }
0x6f: {  	v50 =	vld [tilespmem:s18+$0xFFFFFDC0];
	v6 =	vadd.f32 v6, v12;
	v12 =	vmul.f32 v19, v9;
	v19 =	vmul.f32 v20, v10  }
0x70: {  	v18 =	vmul.f32 v18, v8;
	v14 =	vmul.f32 v14, v5;
	v13 =	vld [tilespmem:s18+$0xFFFFFFD0];
	v17 =	vadd.f32 v17, v23  }
0x71: {  	v24 =	vld [tilespmem:s18+$0xFFFFFF90];
	v23 =	vmul.f32 v29, v9;
	v29 =	vmul.f32 v30, v10;
	v12 =	vadd.f32 v19, v12  }
0x72: {  	v46 =	vmul.f32 v36, v10;
	v27 =	vmul.f32 v27, v5;
	v20 =	vld [tilespmem:s18+$0xFFFFFF80];
	v11 =	vadd.f32 v11, v17  }
0x73: {  	v30 =	vld [tilespmem:s18+$0xFFFFFF20];
	v17 =	vmul.f32 v22, v8;
	v12 =	vadd.f32 v15, v12;
	v15 =	vadd.f32 v29, v23  }
0x74: {  	v19 =	vld [tilespmem:s18+$0xFFFFFEF0];
	v6 =	vadd.f32 v4, v6;
	v23 =	vmul.f32 v25, v9;
	v25 =	vmul.f32 v26, v10  }
0x75: {  	v4 =	vld [tilespmem:s18+$0xFFFFFF40];
	v26 =	vmul.f32 v33, v10;
	v15 =	vadd.f32 v17, v15;
	v17 =	vmul.f32 v32, v9  }
0x76: {  	v22 =	vld [tilespmem:s18+$0xFFFFFEE0];
	v13 =	vmul.f32 v13, v10;
	v33 =	vmul.f32 v47, v10;
	v23 =	vadd.f32 v25, v23  }
0x77: {  	v29 =	vld [tilespmem:s18+$0xFFFFFF10];
	(xrf2) =	vadd.scan.msk.f32 $0xffff, v6;
	v6 =	vmul.f32 v41, v5;
	v17 =	vadd.f32 v26, v17;
	v26 =	vmul.f32 v28, v8  }
0x78: {  	v7 =	vadd.f32 v7, v12;
	v12 =	vld [tilespmem:s18+$0xFFFFFF00];
	v18 =	vadd.f32 v18, v23;
	v23 =	vmul.f32 v35, v9  }
0x79: {  	v25 =	vld [tilespmem:s18+$0xFFFFFE70];
	v15 =	vadd.f32 v16, v15;
	v16 =	vadd.f32 v26, v17;
	v17 =	vmul.f32 v21, v5  }
0x7a: {  	v28 =	vld [tilespmem:s18+$0xFFFFFEC0];
	v14 =	vadd.f32 v14, v18;
	v18 =	vadd.f32 v46, v23;
	v23 =	vmul.f32 v31, v8  }
0x7b: {  	v20 =	vmul.f32 v20, v9;
	v31 =	vmul.f32 v40, v9;
	v16 =	vadd.f32 v17, v16;
	v17 =	vld [tilespmem:s18+$0xFFFFFE40]  }
0x7c: {  	v22 =	vmul.f32 v22, v8;
	v18 =	vadd.f32 v23, v18;
	v23 =	vmul.f32 v24, v10;
	v24 =	vld [tilespmem:s18+$0xFFFFFE50]  }
0x7d: {  	v29 =	vmul.f32 v29, v10;
	v21 =	vld [tilespmem:s18+$0xFFFFFE30];
	v12 =	vmul.f32 v12, v9;
	v13 =	vadd.f32 v13, v31  }
0x7e: {  	v26 =	vld [tilespmem:s18+$0xFFFFFE60];
	v31 =	vmul.f32 v38, v8;
	v20 =	vadd.f32 v23, v20;
	v23 =	vmul.f32 v39, v8  }
0x7f: {  	v12 =	vadd.f32 v29, v12;
	v29 =	vmul.f32 v30, v8;
	v30 =	vld [tilespmem:s18+$0xFFFFFD80];
	v28 =	vmul.f32 v28, v9  }
0x80: {  	v13 =	vadd.f32 v31, v13;
	v31 =	vld [tilespmem:s18+$0xFFFFFE10];
	v20 =	vadd.f32 v23, v20;
	v23 =	vmul.f32 v37, v5  }
0x81: {  	v18 =	vadd.f32 v27, v18;
	v27 =	vld [tilespmem:s18+$0xFFFFFE20];
	v17 =	vmul.f32 v17, v9;
	v24 =	vmul.f32 v24, v10  }
0x82: {  	(xrf2) =	vadd.scan.msk.f32 $0xffff, v11;
	v11 =	vmul.f32 v19, v5;
	v12 =	vadd.f32 v29, v12;
	v29 =	vld [tilespmem:s18+$0xFFFFFDA0];
	v28 =	vadd.f32 v33, v28  }
0x83: {  	v19 =	vmul.f32 v26, v8;
	v20 =	vadd.f32 v23, v20;
	v23 =	vld [tilespmem:s18+$0xFFFFFD90];
	v17 =	vadd.f32 v24, v17  }
0x84: {  	v34 =	vmul.f32 v34, v5;
	(xrf2) =	vadd.scan.msk.f32 $0xffff, v7;
	v7 =	vadd.f32 v22, v28;
	v22 =	vmul.f32 v49, v9;
	v24 =	vld [tilespmem:s18+$0xFFFFFDD0]  }
0x85: {  	v6 =	vadd.f32 v6, v12;
	v26 =	vmul.f32 v31, v10;
	v12 =	vadd.f32 v19, v17;
	v17 =	vld [tilespmem:s18+$0xFFFFFDE0]  }
0x86: {  	(xrf2) =	vadd.scan.msk.f32 $0xffff, v15;
	v15 =	vmul.f32 v25, v5;
	v13 =	vadd.f32 v34, v13;
	v19 =	vld [tilespmem:s18+$0xFFFFFE90]  }
0x87: {  	(xrf2) =	vadd.scan.msk.f32 $0xffff, v14;
	v28 =	vld [tilespmem:s18+$0xFFFFFDB0];
	v7 =	vadd.f32 v11, v7;
	v14 =	vmul.f32 v27, v8;
	v11 =	vadd.f32 v26, v22  }
0x88: {  	(xrf2) =	vadd.scan.msk.f32 $0xffff, v16;
	v16 =	vmul.f32 v30, v9;
	v22 =	vmul.f32 v23, v10;
	v12 =	vadd.f32 v15, v12;
	v15 =	vld [tilespmem:s18+$0xFFFFFDF0]  }
0x89: {  	(xrf2) =	vadd.scan.msk.f32 $0xffff, v18;
	v11 =	vadd.f32 v14, v11;
	v14 =	vmul.f32 v50, v9;
	v23 =	vld [tilespmem:s18+$0xFFFFFEA0];
	v18 =	vmul.f32 v24, v10  }
0x8a: {  	(xrf2) =	vadd.scan.msk.f32 $0xffff, v13;
	v13 =	vmul.f32 v21, v5;
	v21 =	vmul.f32 v29, v8;
	v16 =	vadd.f32 v22, v16;
	v22 =	vld [tilespmem:s18+$0xFFFFFF50]  }
0x8b: {  	(xrf2) =	vadd.scan.msk.f32 $0xffff, v20;
	v14 =	vadd.f32 v18, v14;
	v17 =	vmul.f32 v17, v8;
	v18 =	vld [tilespmem:s18+$0xFFFFFEB0];
	v19 =	vmul.f32 v19, v10  }
0x8c: {  	(xrf2) =	vadd.scan.msk.f32 $0xffff, v6;
	v20 =	vmul.f32 v28, v5;
	v6 =	vadd.f32 v21, v16;
	v16 =	vmul.f32 v48, v9;
	v21 =	vld [tilespmem:s18+$0xFFFFFF60]  }
0x8d: {  	v24, _, _ =	vpop (xrf2);
	(xrf2) =	vadd.scan.msk.f32 $0xffff, v7;
	v7 =	vadd.f32 v13, v11;
	v11 =	vadd.f32 v17, v14;
	v13 =	vmul.f32 v15, v5;
	v14 =	vld [tilespmem:s18+$0x10]  }
0x8e: {  	v15, _, _ =	vpop (xrf2);
	(xrf2) =	vadd.scan.msk.f32 $0xffff, v12;
	v17 =	vld [tilespmem:s18+$0xFFFFFF70];
	v6 =	vadd.f32 v20, v6;
	v12 =	vadd.f32 v19, v16;
	v16 =	vmul.f32 v23, v8  }
0x8f: {  	v4 =	vmul.f32 v4, v9;
	v19, _, _ =	vpop (xrf2);
	(xrf2) =	vadd.scan.msk.f32 $0xffff, v7;
	v7 =	vadd.f32 v13, v11;
	v11 =	vmul.f32 v22, v10;
	v13 =	vld [tilespmem:s18+$0x20]  }
0x90: {  	v20, _, _ =	vpop (xrf2);
	(xrf2) =	vadd.scan.msk.f32 $0xffff, v6;
	v6 =	vadd.f32 v16, v12;
	v12 =	vmul.f32 v18, v5;
	v16 =	vld [tilespmem:s18+$0x190]  }
0x91: {  	v4 =	vadd.f32 v11, v4;
	v11 =	vmul.f32 v21, v8;
	v21 =	vld [tilespmem:s18+$0x30]  }
0x92: {  	v3 =	vmul.f32 v3, v9;
	v6 =	vadd.f32 v12, v6;
	v12 =	vmul.f32 v14, v10;
	v14 =	vld [tilespmem:s18+$0x1A0]  }
0x93: {  	v18, _, _ =	vpop (xrf2);
	v4 =	vadd.f32 v11, v4;
	v11 =	vmul.f32 v17, v5;
	v17 =	vld [tilespmem:s18+$0x250]  }
0x94: {  	(xrf2) =	vadd.scan.msk.f32 $0xffff, v7;
	v7, _, _ =	vpop (xrf2);
	v3 =	vadd.f32 v12, v3;
	v12 =	vmul.f32 v13, v8;
	v13 =	vld [tilespmem:s18+$0x1B0]  }
0x95: {  	v22, _, _ =	vpop (xrf2);
	(xrf2) =	vadd.scan.msk.f32 $0xffff, v6;
	v4 =	vadd.f32 v11, v4;
	v11 =	vmul.f32 v16, v10;
	v16 =	vld [tilespmem:s18+$0x260]  }
0x96: {  	v2 =	vmul.f32 v2, v9;
	v3 =	vadd.f32 v12, v3;
	v12 =	vmul.f32 v21, v5;
	v21 =	vld [tilespmem:s18+$0x270]  }
0x97: {  	v23, _, _ =	vpop (xrf2)  }
0x98: {  	v6, _, _ =	vpop (xrf2);
	v2 =	vadd.f32 v11, v2;
	v11 =	vmul.f32 v14, v8  }
0x99: {  	v1 =	vmul.f32 v1, v9;
	v25, _, _ =	vpop (xrf2);
	v3 =	vadd.f32 v12, v3;
	v12 =	vmul.f32 v17, v10  }
0x9a: {  	(xrf2) =	vadd.scan.msk.f32 $0xffff, v4;
	v26, _, _ =	vpop (xrf2);
	v2 =	vadd.f32 v11, v2;
	v11 =	vmul.f32 v13, v5  }
0x9b: {  	v4, _, _ =	vpop (xrf2);
	v1 =	vadd.f32 v12, v1;
	v12 =	vmul.f32 v16, v8;
	(xrf2) =	vadd.scan.msk.f32 $0xffff, v3;
	v3 =	vmul.f32 v21, v5  }
0x9c: {  	v14, _, _ =	vpop (xrf2)  }
0x9d: {  	v13, _, _ =	vpop (xrf2);
	v1 =	vadd.f32 v12, v1  }
0x9e: {  	v2 =	vadd.f32 v11, v2;
	v11, _, _ =	vpop (xrf2)  }
0x9f: {  	v13 =	vbroadcast v13, $0xF;
	v11 =	vbroadcast v11, $0xF;
	v1 =	vadd.f32 v3, v1;
	v3, _, _ =	vpop (xrf2)  }
0xa0: {  	v12 =	vbroadcast v14, $0xF;
	(xrf2) =	vadd.scan.msk.f32 $0xffff, v2;
	v3 =	vbroadcast v3, $0xF  }
0xa1: {  	v4 =	vbroadcast v4, $0xF;
	v2 =	vsel vm14, v13, v11  }
0xa2: {  	v2 =	vsel vm1, v2, v12  }
0xa3: {  	(xrf2) =	vadd.scan.msk.f32 $0xffff, v1;
	v2 =	vsel vm2, v2, v4;
	v4 =	vbroadcast v26, $0xF  }
0xa4: {  	v1 =	vsel vm3, v2, v3;
	v2 =	vbroadcast v25, $0xF;
	v3, _, _ =	vpop (xrf2)  }
0xa5: {  	v1 =	vsel vm4, v1, v4;
	v3 =	vbroadcast v3, $0xF  }
0xa6: {  	v1 =	vsel vm5, v1, v2;
	v2 =	vbroadcast v6, $0xF  }
0xa7: {  	v4, _, _ =	vpop (xrf2);
	v1 =	vsel vm6, v1, v3;
	v3 =	vbroadcast v23, $0xF  }
0xa8: {  	v1 =	vsel vm7, v1, v2;
	v2 =	vbroadcast v4, $0xF  }
0xa9: {  	s20 =	sadd.s32 $0xFFFFFFF0, s19;
	v11 =	vbroadcast v18, $0xF;
	v1 =	vsel vm8, v1, v3;
	v3 =	vbroadcast v22, $0xF  }
0xaa: {  	v6 =	vadd.s32 s20, v0;
	v1 =	vsel vm9, v1, v2;
	v2 =	vbroadcast v7, $0xF;
	v7, _, _ =	vpop (xrf2)  }
0xab: {  	v1 =	vsel vm10, v1, v3;
	v3 =	vbroadcast v20, $0xF;
	v7 =	vbroadcast v7, $0xF  }
0xac: {  	v4 =	vadd.s32 s19, v0;
	v1 =	vsel vm11, v1, v2;
	v2 =	vbroadcast v15, $0xF  }
0xad: {  	s15 =	simm.s32 $0xAC20;
	v13, _, _ =	vpop (xrf2);
	v1 =	vsel vm12, v1, v3;
	v3 =	vnsel vm14, $0x0, v7;
	v7 =	vbroadcast v19, $0xF  }
0xae: {  	v14 =	vld [tilespmem:s15+$0xFFFFFFF0];
	v1 =	vsel vm13, v1, v2;
	v2 =	vsel vm15, v3, v11;
	v3 =	vbroadcast v13, $0xF  }
0xaf: {  	v12 =	vld [tilespmem:s15+$0xFFFFFFE0];
	v1 =	vsel vm0, v1, v24;
	vm0 =	vmmov vm1;
	vm1 =	vcmask $0x710  }
0xb0: {  	v11 =	vld [tilespmem:s15+$0x0];
	v2 =	vsel vm1, v2, v7;
	vm1 =	vcmask $0xB10  }
0xb1: {  	v13 =	vld [tilespmem:s15+$0x10];
	[tilespmem:v6+s29+$0x0] =	vst.idx.msk $0xffff, v1;
	v2 =	vsel vm1, v2, v3  }
0xb2: {  	s16 =	simm.s32 $0xB780;
	[tilespmem:v4+s29+$0x0] =	vst.idx.msk $0xf, v2  }
0xb3: {  	v15 =	vld [tilespmem:s16+$0x170]  }
0xb4: {  	v16 =	vld [tilespmem:s16+$0x160]  }
0xb5: {  	v17 =	vld [tilespmem:s16+$0x230]  }
0xb6: {  	v18 =	vld [tilespmem:s16+$0x130]  }
0xb7: {  	v19 =	vld [tilespmem:s16+$0x140]  }
0xb8: {  	v20 =	vld [tilespmem:s16+$0x150]  }
0xb9: {  	v21 =	vld [tilespmem:s16+$0x1F0]  }
0xba: {  	v22 =	vld [tilespmem:s16+$0x220]  }
0xbb: {  	v6 =	vld [tilespmem:s16+$0x240]  }
0xbc: {  	v23 =	vld [tilespmem:s16+$0xF0]  }
0xbd: {  	v24 =	vld [tilespmem:s16+$0x120]  }
0xbe: {  	v25 =	vld [tilespmem:s16+$0x1E0]  }
0xbf: {  	v26 =	vld [tilespmem:s16+$0x200]  }
0xc0: {  	v27 =	vld [tilespmem:s16+$0x210]  }
0xc1: {  	v28 =	vld [tilespmem:s16+$0xB0]  }
0xc2: {  	v29 =	vld [tilespmem:s16+$0xE0]  }
0xc3: {  	v30 =	vld [tilespmem:s16+$0x100]  }
0xc4: {  	v31 =	vld [tilespmem:s16+$0x110]  }
0xc5: {  	v51 =	vld [tilespmem:s16+$0x1C0]  }
0xc6: {  	v52 =	vld [tilespmem:s16+$0x1D0]  }
0xc7: {  	v53 =	vld [tilespmem:s16+$0x70]  }
0xc8: {  	s17 =	sadd.s32 $0x40, s0;
	v54 =	vld [tilespmem:s16+$0xA0]  }
0xc9: {  	v3 =	vld [tilespmem:s17+$0xFFFFFFE0]  }
0xca: {  	v4 =	vld [tilespmem:s17+$0xFFFFFFF0]  }
0xcb: {  	v55 =	vld [tilespmem:s16+$0xC0]  }
0xcc: {  	v2 =	vld [tilespmem:s17+$0x0]  }
0xcd: {  	v56 =	vld [tilespmem:s16+$0xD0]  }
0xce: {  	v1 =	vld [tilespmem:s17+$0x10]  }
0xcf: {  	v7 =	vld [tilespmem:s16+$0x180]  }
0xd0: {  	v10 =	vmul.f32 v14, v10;
	v9 =	vmul.f32 v12, v9;
	v57 =	vld [tilespmem:s16+$0x60]  }
0xd1: {  	v58 =	vld [tilespmem:s16+$0x80]  }
0xd2: {  	v9 =	vadd.f32 v10, v9;
	v12 =	vld [tilespmem:s16+$0x90];
	v8 =	vmul.f32 v11, v8  }
0xd3: {  	v14 =	vld [tilespmem:s16+$0xFFFFFFF0]  }
0xd4: {  	v10 =	vld [tilespmem:s16+$0x40];
	v5 =	vmul.f32 v13, v5;
	v8 =	vadd.f32 v8, v9  }
0xd5: {  	v59 =	vld [tilespmem:s16+$0xFFFFFFD0];
	v11 =	vmul.f32 v19, v3;
	v19 =	vmul.f32 v20, v4  }
0xd6: {  	v60 =	vld [tilespmem:s16+$0xFFFFFF90];
	v5 =	vadd.f32 v5, v8;
	v16 =	vmul.f32 v16, v2;
	v8 =	vmul.f32 v30, v3  }
0xd7: {  	v61 =	vld [tilespmem:s16+$0xFFFFFED0];
	v30 =	vmul.f32 v31, v4;
	v15 =	vmul.f32 v15, v1  }
0xd8: {  	v9 =	vld [tilespmem:s16+$0xFFFFFFB0];
	v26 =	vmul.f32 v26, v3;
	v27 =	vmul.f32 v27, v4;
	v13 =	vadd.f32 v19, v11  }
0xd9: {  	v20 =	vld [tilespmem:s16+$0x50];
	v31 =	vmul.f32 v56, v4;
	v22 =	vmul.f32 v22, v2  }
0xda: {  	v17 =	vmul.f32 v17, v1;
	v23 =	vmul.f32 v23, v1;
	v19 =	vld [tilespmem:s16+$0xFFFFFFE0];
	v13 =	vadd.f32 v16, v13  }
0xdb: {  	v25 =	vmul.f32 v25, v2;
	v11 =	vld [tilespmem:s16+$0x0];
	v8 =	vadd.f32 v30, v8;
	v16 =	vmul.f32 v24, v2  }
0xdc: {  	v12 =	vmul.f32 v12, v4;
	v30 =	vld [tilespmem:s16+$0xFFFFFFC0];
	v13 =	vadd.f32 v15, v13;
	v15 =	vmul.f32 v55, v3  }
0xdd: {  	v24 =	vld [tilespmem:s16+$0xFFFFFFA0];
	v8 =	vadd.f32 v16, v8;
	v16 =	vmul.f32 v18, v1;
	v18 =	vadd.f32 v27, v26  }
0xde: {  	v21 =	vmul.f32 v21, v1;
	v10 =	vmul.f32 v10, v3;
	(xrf2) =	vadd.scan.msk.f32 $0xffff, v5;
	v26 =	vld [tilespmem:s16+$0xFFFFFF30]  }
0xdf: {  	v27 =	vmul.f32 v29, v2;
	v29 =	vld [tilespmem:s16+$0xFFFFFF80];
	v15 =	vadd.f32 v31, v15;
	v5 =	vadd.f32 v22, v18  }
0xe0: {  	v8 =	vadd.f32 v16, v8;
	v16 =	vmul.f32 v51, v3;
	v31 =	vmul.f32 v52, v4;
	v22 =	vld [tilespmem:s16+$0xFFFFFEF0]  }
0xe1: {  	(xrf2) =	vadd.scan.msk.f32 $0xffff, v13;
	v13 =	vmul.f32 v28, v1;
	v28 =	vld [tilespmem:s16+$0xFFFFFE70];
	v5 =	vadd.f32 v17, v5;
	v17 =	vmul.f32 v58, v3  }
0xe2: {  	s30 =	simm.s32 $0x0;
	v18 =	vadd.f32 v27, v15;
	v16 =	vadd.f32 v31, v16;
	v27 =	vld [tilespmem:s16+$0xFFFFFF20];
	v31 =	vmul.f32 v54, v2;
	(xrf2) =	vadd.scan.msk.f32 $0xffff, v8  }
0xe3: {  	v15 =	vld [tilespmem:s16+$0xFFFFFF40];
	v12 =	vadd.f32 v12, v17;
	v17 =	vmul.f32 v20, v4;
	(xrf2) =	vadd.scan.msk.f32 $0xffff, v5;
	v5 =	vmov s30  }
0xe4: {  	v18 =	vadd.f32 v23, v18;
	v16 =	vadd.f32 v25, v16;
	v23 =	vld [tilespmem:s16+$0xFFFFFEE0];
	vm1 =	veq.s32 v5, v0  }
0xe5: {  	v20 =	vld [tilespmem:s16+$0xFFFFFF00];
	v10 =	vadd.f32 v17, v10;
	v17 =	vmul.f32 v57, v2;
	v8 =	vadd.f32 v31, v12  }
0xe6: {  	v16 =	vadd.f32 v21, v16;
	v21 =	vld [tilespmem:s16+$0xFFFFFF10];
	v12 =	vmul.f32 v30, v3;
	v30 =	vmul.f32 v59, v4  }
0xe7: {  	v31 =	vld [tilespmem:s16+$0xFFFFFEC0];
	(xrf2) =	vadd.scan.msk.f32 $0xffff, v18;
	v10 =	vadd.f32 v17, v10;
	v17 =	vmul.f32 v53, v1;
	v8 =	vadd.f32 v13, v8  }
0xe8: {  	v18 =	vld [tilespmem:s16+$0xFFFFFE30];
	v12 =	vadd.f32 v30, v12;
	v13 =	vmul.f32 v19, v2;
	v19, _, _ =	vpop (xrf2);
	(xrf2) =	vadd.scan.msk.f32 $0xffff, v16;
	v16 =	vmul.f32 v29, v3  }
0xe9: {  	v29 =	vmul.f32 v60, v4;
	v30 =	vld [tilespmem:s16+$0xFFFFFE60];
	v62 =	vbroadcast v19, $0xF;
	v10 =	vadd.f32 v17, v10  }
0xea: {  	(xrf2) =	vadd.scan.msk.f32 $0xffff, v8;
	v8 =	vadd.f32 v13, v12;
	v12 =	vmul.f32 v14, v1;
	v13 =	vld [tilespmem:s16+$0xFFFFFE40];
	v14 =	vmul.f32 v24, v2  }
0xeb: {  	v5 =	vadd.f32 v29, v16;
	v16 =	vmul.f32 v20, v3;
	v19 =	vmul.f32 v21, v4;
	(xrf2) =	vadd.scan.msk.f32 $0xffff, v10;
	v10 =	vld [tilespmem:s16+$0xFFFFFE50]  }
0xec: {  	v17 =	vld [tilespmem:s16+$0xFFFFFE80];
	v21 =	vmul.f32 v61, v4;
	v20 =	vadd.f32 v12, v8;
	v12 =	vmul.f32 v31, v3  }
0xed: {  	v5 =	vadd.f32 v14, v5;
	v14 =	vld [tilespmem:s16+$0xFFFFFE00];
	v16 =	vadd.f32 v19, v16;
	v19 =	vmul.f32 v27, v2  }
0xee: {  	v26 =	vmul.f32 v26, v1;
	v24 =	vmul.f32 v9, v1;
	v27 =	vld [tilespmem:s16+$0xFFFFFE10];
	v12 =	vadd.f32 v21, v12  }
0xef: {  	v23 =	vmul.f32 v23, v2;
	v29 =	vld [tilespmem:s16+$0xFFFFFE20];
	v8, _, _ =	vpop (xrf2);
	(xrf2) =	vadd.scan.msk.f32 $0xffff, v20;
	v16 =	vadd.f32 v19, v16;
	v13 =	vmul.f32 v13, v3  }
0xf0: {  	v5 =	vadd.f32 v24, v5;
	v21 =	vld [tilespmem:s16+$0xFFFFFD90];
	v9, _, _ =	vpop (xrf2);
	v31 =	vmul.f32 v10, v4  }
0xf1: {  	v24 =	vmul.f32 v22, v1;
	v19 =	vld [tilespmem:s16+$0xFFFFFD80];
	v23 =	vadd.f32 v23, v12;
	v10, _, _ =	vpop (xrf2);
	v16 =	vadd.f32 v26, v16  }
0xf2: {  	v25 =	vimm.f32 $0.0e+00;
	v30 =	vmul.f32 v30, v2;
	v20 =	vld [tilespmem:s16+$0xFFFFFDA0];
	(xrf2) =	vadd.scan.msk.f32 $0xffff, v5;
	v12, _, _ =	vpop (xrf2);
	v26 =	vadd.f32 v31, v13  }
0xf3: {  	v22 =	vld [tilespmem:s16+$0xFFFFFDC0];
	v27 =	vmul.f32 v27, v4;
	v63 =	vadd.f32 v24, v23;
	v13, _, _ =	vpop (xrf2);
	v31 =	vmul.f32 v14, v3  }
0xf4: {  	v5 =	vsel vm1, v62, v25;
	v24 =	vld [tilespmem:s16+$0xFFFFFDD0];
	(xrf2) =	vadd.scan.msk.f32 $0xffff, v16;
	v14, _, _ =	vpop (xrf2);
	v25 =	vadd.f32 v30, v26  }
0xf5: {  	s1 =	smov.u32 s19;
	s18 =	simm.s32 $0x1;
	s20 =	simm.s32 $0x2;
	v23 =	vld [tilespmem:s16+$0xFFFFFDB0];
	(xrf2) =	vadd.scan.msk.f32 $0xffff, v63;
	v26 =	vmul.f32 v28, v1;
	v27 =	vadd.f32 v27, v31;
	v28 =	vmul.f32 v29, v2;
	v16, _, _ =	vpop (xrf2)  }
.LBB2_3:
0xf6: {  	v30 =	vld [tilespmem:s16+$0xFFFFFDE0];
	v29 =	vmul.f32 v19, v3;
	v21 =	vmul.f32 v21, v4  }
0xf7: {  	v25 =	vadd.f32 v26, v25;
	v31 =	vadd.f32 v28, v27;
	v27 =	vld [tilespmem:s16+$0xFFFFFE90]  }
0xf8: {  	v28 =	vld [tilespmem:s16+$0xFFFFFDF0];
	v18 =	vmul.f32 v18, v1;
	v20 =	vmul.f32 v20, v2;
	v21 =	vadd.f32 v21, v29  }
0xf9: {  	v22 =	vmul.f32 v22, v3;
	v24 =	vmul.f32 v24, v4;
	v19, _, _ =	vpop (xrf2);
	(xrf2) =	vadd.scan.msk.f32 $0xffff, v25;
	v25 =	vld [tilespmem:s16+$0xFFFFFEA0]  }
0xfa: {  	v18 =	vadd.f32 v18, v31;
	v20 =	vadd.f32 v20, v21;
	v21 =	vmul.f32 v23, v1;
	v23 =	vld [tilespmem:s16+$0xFFFFFF50]  }
0xfb: {  	v22 =	vadd.f32 v24, v22;
	v24 =	vmul.f32 v30, v2;
	v29 =	vld [tilespmem:s16+$0xFFFFFEB0]  }
0xfc: {  	v17 =	vmul.f32 v17, v3;
	v26, _, _ =	vpop (xrf2);
	(xrf2) =	vadd.scan.msk.f32 $0xffff, v18;
	v18 =	vadd.f32 v21, v20;
	v20 =	vmul.f32 v27, v4;
	v21 =	vld [tilespmem:s16+$0xFFFFFF60]  }
0xfd: {  	v30 =	vmul.f32 v28, v1;
	v28 =	vld [tilespmem:s16+$0x10];
	v22 =	vadd.f32 v24, v22  }
0xfe: {  	v17 =	vadd.f32 v20, v17;
	v20 =	vmul.f32 v25, v2;
	v25 =	vld [tilespmem:s16+$0xFFFFFF70]  }
0xff: {  	v15 =	vmul.f32 v15, v3;
	v27, _, _ =	vpop (xrf2);
	(xrf2) =	vadd.scan.msk.f32 $0xffff, v18;
	v18 =	vadd.f32 v30, v22;
	v22 =	vmul.f32 v23, v4;
	v23 =	vld [tilespmem:s16+$0x20]  }
0x100: {  	v17 =	vadd.f32 v20, v17;
	v20 =	vmul.f32 v29, v1;
	v29 =	vld [tilespmem:s16+$0x190]  }
0x101: {  	v24, _, _ =	vpop (xrf2);
	(xrf2) =	vadd.scan.msk.f32 $0xffff, v18;
	v15 =	vadd.f32 v22, v15;
	v21 =	vmul.f32 v21, v2;
	v22 =	vld [tilespmem:s16+$0x30]  }
0x102: {  	v11 =	vmul.f32 v11, v3;
	v18 =	vmul.f32 v28, v4;
	v17 =	vadd.f32 v20, v17;
	v20 =	vld [tilespmem:s16+$0x1A0]  }
0x103: {  	v15 =	vadd.f32 v21, v15;
	v21 =	vmul.f32 v25, v1;
	v25 =	vld [tilespmem:s16+$0x250]  }
0x104: {  	v28, _, _ =	vpop (xrf2);
	v11 =	vadd.f32 v18, v11;
	v18 =	vmul.f32 v23, v2;
	v23 =	vld [tilespmem:s16+$0x1B0];
	(xrf2) =	vadd.scan.msk.f32 $0xffff, v17  }
0x105: {  	v7 =	vmul.f32 v7, v3;
	v15 =	vadd.f32 v21, v15;
	v17 =	vmul.f32 v29, v4;
	v21 =	vld [tilespmem:s16+$0x260]  }
0x106: {  	v11 =	vadd.f32 v18, v11;
	v30 =	vmul.f32 v22, v1  }
0x107: {  	v29, _, _ =	vpop (xrf2);
	v22 =	vld [tilespmem:s16+$0x270];
	v7 =	vadd.f32 v17, v7;
	v17 =	vmul.f32 v20, v2;
	(xrf2) =	vadd.scan.msk.f32 $0xffff, v15  }
0x108: {  	v6 =	vmul.f32 v6, v3;
	v11 =	vadd.f32 v30, v11;
	v15 =	vmul.f32 v25, v4  }
0x109: {  	v7 =	vadd.f32 v17, v7;
	v20 =	vmul.f32 v23, v1  }
0x10a: {  	v18, _, _ =	vpop (xrf2);
	v6 =	vadd.f32 v15, v6;
	v15 =	vmul.f32 v21, v2;
	(xrf2) =	vadd.scan.msk.f32 $0xffff, v11  }
0x10b: {  	v18 =	vbroadcast v18, $0xF;
	v7 =	vadd.f32 v20, v7;
	v17, _, _ =	vpop (xrf2)  }
0x10c: {  	v20 =	vmul.f32 v22, v1;
	v17 =	vbroadcast v17, $0xF;
	v6 =	vadd.f32 v15, v6  }
0x10d: {  	v15 =	vbroadcast v29, $0xF;
	(xrf2) =	vadd.scan.msk.f32 $0xffff, v7  }
0x10e: {  	v7 =	vsel vm14, v18, v17;
	v17 =	vbroadcast v28, $0xF;
	v6 =	vadd.f32 v20, v6;
	v11, _, _ =	vpop (xrf2)  }
0x10f: {  	v7 =	vsel vm0, v7, v15;
	v18 =	vbroadcast v11, $0xF  }
0x110: {  	v15 =	vbroadcast v24, $0xF;
	v7 =	vsel vm2, v7, v17;
	(xrf2) =	vadd.scan.msk.f32 $0xffff, v6  }
0x111: {  	v6 =	vsel vm3, v7, v18;
	v7 =	vbroadcast v27, $0xF;
	v11, _, _ =	vpop (xrf2)  }
0x112: {  	v6 =	vsel vm4, v6, v15;
	v11 =	vbroadcast v11, $0xF  }
0x113: {  	v6 =	vsel vm5, v6, v7;
	v7 =	vbroadcast v26, $0xF  }
0x114: {  	v6 =	vsel vm6, v6, v11;
	v11 =	vbroadcast v19, $0xF;
	v15, _, _ =	vpop (xrf2)  }
0x115: {  	v6 =	vsel vm7, v6, v7;
	v7 =	vbroadcast v15, $0xF  }
0x116: {  	v6 =	vsel vm8, v6, v11;
	v11 =	vbroadcast v16, $0xF  }
0x117: {  	v6 =	vsel vm9, v6, v7;
	v7 =	vbroadcast v14, $0xF;
	v16, _, _ =	vpop (xrf2)  }
0x118: {  	v6 =	vsel vm10, v6, v11;
	v11 =	vbroadcast v12, $0xF;
	v16 =	vbroadcast v16, $0xF  }
0x119: {  	v6 =	vsel vm11, v6, v7;
	v7 =	vbroadcast v9, $0xF;
	v9 =	vbroadcast v13, $0xF  }
0x11a: {  	v6 =	vsel vm12, v6, v11;
	v11 =	vnsel vm14, $0x0, v16;
	v12, _, _ =	vpop (xrf2)  }
0x11b: {  	v6 =	vsel vm13, v6, v7;
	v7 =	vsel vm15, v11, v9;
	v9 =	vbroadcast v12, $0xF;
	v12 =	vld [tilespmem:$0x1FFE0]  }
0x11c: {  	s1 =	sadd.s32 $0x14, s1  }
0x11d: {  	s30 =	sadd.s32 $0xFFFFFFF0, s1  }
0x11e: {  	v14 =	vadd.s32 s30, v0  }
0x11f: {  	s15 =	sadd.s32 $0x40, s15;
	v15 =	vadd.s32 s1, v0  }
0x120: {  	v10 =	vbroadcast v10, $0xF;
	v13 =	vld [tilespmem:s15+$0xFFFFFFE0];
	vm1 =	vnez.u8 v12  }
0x121: {  	v16 =	vld [tilespmem:s15+$0xFFFFFFF0];
	v6 =	vsel vm1, v6, v8;
	vm1 =	vcmask $0x710  }
0x122: {  	v11 =	vld [tilespmem:s15+$0x0];
	v7 =	vsel vm1, v7, v10;
	vm1 =	vcmask $0xB10  }
0x123: {  	v8 =	vld [tilespmem:s15+$0x10];
	[tilespmem:v14+s29+$0x0] =	vst.idx.msk $0xffff, v6;
	v7 =	vsel vm1, v7, v9  }
0x124: {  	s16 =	sadd.s32 $0x500, s16;
	[tilespmem:v15+s29+$0x0] =	vst.idx.msk $0xf, v7  }
0x125: {  	v9 =	vld [tilespmem:s16+$0x170]  }
0x126: {  	v10 =	vld [tilespmem:s16+$0x160]  }
0x127: {  	v12 =	vld [tilespmem:s16+$0x230]  }
0x128: {  	v2 =	vmul.f32 v11, v2;
	v11 =	vld [tilespmem:s16+$0x130]  }
0x129: {  	v7 =	vld [tilespmem:s16+$0x140]  }
0x12a: {  	v3 =	vmul.f32 v13, v3;
	v13 =	vld [tilespmem:s16+$0x1F0]  }
0x12b: {  	v14 =	vld [tilespmem:s16+$0x220]  }
0x12c: {  	v6 =	vld [tilespmem:s16+$0x240]  }
0x12d: {  	v15 =	vld [tilespmem:s16+$0xF0]  }
0x12e: {  	v4 =	vmul.f32 v16, v4;
	v16 =	vld [tilespmem:s16+$0x120]  }
0x12f: {  	v17 =	vld [tilespmem:s16+$0x1E0]  }
0x130: {  	v3 =	vadd.f32 v4, v3;
	v18 =	vld [tilespmem:s16+$0x200]  }
0x131: {  	v19 =	vld [tilespmem:s16+$0x210]  }
0x132: {  	v2 =	vadd.f32 v2, v3;
	v20 =	vld [tilespmem:s16+$0xB0];
	v1 =	vmul.f32 v8, v1  }
0x133: {  	v21 =	vld [tilespmem:s16+$0xE0]  }
0x134: {  	v22 =	vld [tilespmem:s16+$0x100];
	v1 =	vadd.f32 v1, v2  }
0x135: {  	v23 =	vld [tilespmem:s16+$0x110]  }
0x136: {  	s17 =	sadd.s32 $0x40, s17;
	v24 =	vld [tilespmem:s16+$0x1C0];
	(xrf2) =	vadd.scan.msk.f32 $0xffff, v1  }
0x137: {  	v3 =	vld [tilespmem:s17+$0xFFFFFFE0]  }
0x138: {  	v4 =	vld [tilespmem:s17+$0xFFFFFFF0]  }
0x139: {  	v8 =	vld [tilespmem:s16+$0x150]  }
0x13a: {  	v25 =	vld [tilespmem:s16+$0x1D0];
	v2 =	vmov s18  }
0x13b: {  	vm1 =	vmmov vm15;
	vm15 =	veq.s32 v2, v0;
	v2 =	vld [tilespmem:s17+$0x0]  }
0x13c: {  	v26 =	vld [tilespmem:s16+$0x70]  }
0x13d: {  	v27 =	vld [tilespmem:s16+$0xA0]  }
0x13e: {  	v28 =	vld [tilespmem:s16+$0xC0];
	v30 =	vmul.f32 v7, v3;
	v8 =	vmul.f32 v8, v4  }
0x13f: {  	v29 =	vld [tilespmem:s16+$0xD0];
	v22 =	vmul.f32 v22, v3;
	v23 =	vmul.f32 v23, v4  }
0x140: {  	v31 =	vld [tilespmem:s16+$0x60];
	v8 =	vadd.f32 v8, v30;
	v10 =	vmul.f32 v10, v2;
	v1, _, _ =	vpop (xrf2)  }
0x141: {  	v22 =	vadd.f32 v23, v22;
	v23 =	vld [tilespmem:s16+$0x50];
	v1 =	vbroadcast v1, $0xF  }
0x142: {  	v8 =	vadd.f32 v10, v8;
	v10 =	vld [tilespmem:s16+$0x40]  }
0x143: {  	v5 =	vsel vm15, v1, v5;
	v1 =	vld [tilespmem:s17+$0x10]  }
0x144: {  	v32 =	vld [tilespmem:s16+$0x80]  }
0x145: {  	v33 =	vld [tilespmem:s16+$0xFFFFFFF0]  }
0x146: {  	v34 =	vld [tilespmem:s16+$0xFFFFFFE0]  }
0x147: {  	v62 =	vld [tilespmem:s16+$0xFFFFFE20];
	v23 =	vmul.f32 v23, v4;
	v10 =	vmul.f32 v10, v3  }
0x148: {  	v7 =	vld [tilespmem:s16+$0x180];
	v9 =	vmul.f32 v9, v1  }
0x149: {  	v30 =	vld [tilespmem:s16+$0x90];
	v16 =	vmul.f32 v16, v2;
	v10 =	vadd.f32 v23, v10  }
0x14a: {  	v23 =	vld [tilespmem:s16+$0xFFFFFE70];
	v8 =	vadd.f32 v9, v8;
	v9 =	vmul.f32 v18, v3;
	v18 =	vmul.f32 v19, v4  }
0x14b: {  	v16 =	vadd.f32 v16, v22;
	v22 =	vmul.f32 v11, v1;
	v11 =	vld [tilespmem:s16+$0x0]  }
0x14c: {  	v14 =	vmul.f32 v14, v2;
	v19 =	vld [tilespmem:s16+$0xFFFFFFB0];
	v9 =	vadd.f32 v18, v9  }
0x14d: {  	v16 =	vadd.f32 v22, v16;
	v22 =	vld [tilespmem:s16+$0xFFFFFFA0];
	(xrf2) =	vadd.scan.msk.f32 $0xffff, v8;
	v8 =	vmul.f32 v28, v3;
	v18 =	vmul.f32 v29, v4  }
0x14e: {  	v12 =	vmul.f32 v12, v1;
	v28 =	vld [tilespmem:s16+$0xFFFFFEF0];
	v9 =	vadd.f32 v14, v9  }
0x14f: {  	(xrf2) =	vadd.scan.msk.f32 $0xffff, v16;
	v16 =	vld [tilespmem:s16+$0xFFFFFFD0];
	v8 =	vadd.f32 v18, v8;
	v18 =	vmul.f32 v21, v2  }
0x150: {  	v14 =	vld [tilespmem:s16+$0xFFFFFFC0];
	v21 =	vmul.f32 v24, v3;
	v24 =	vmul.f32 v25, v4;
	v9 =	vadd.f32 v12, v9  }
0x151: {  	v17 =	vmul.f32 v17, v2;
	v29 =	vld [tilespmem:s16+$0xFFFFFF20];
	v8 =	vadd.f32 v18, v8;
	v12 =	vmul.f32 v15, v1  }
0x152: {  	v25 =	vld [tilespmem:s16+$0xFFFFFF30];
	v15 =	vadd.f32 v24, v21;
	v24 =	vmul.f32 v30, v4;
	(xrf2) =	vadd.scan.msk.f32 $0xffff, v9;
	v9 =	vmul.f32 v32, v3  }
0x153: {  	v13 =	vmul.f32 v13, v1;
	v18 =	vld [tilespmem:s16+$0xFFFFFF80];
	v30 =	vadd.f32 v12, v8  }
0x154: {  	v21 =	vld [tilespmem:s16+$0xFFFFFF90];
	v12 =	vadd.f32 v17, v15;
	v17 =	vmul.f32 v27, v2;
	v9 =	vadd.f32 v24, v9  }
0x155: {  	v15 =	vld [tilespmem:s16+$0xFFFFFF40];
	v16 =	vmul.f32 v16, v4;
	v14 =	vmul.f32 v14, v3  }
0x156: {  	v12 =	vadd.f32 v13, v12;
	v24 =	vld [tilespmem:s16+$0xFFFFFEE0];
	v13 =	vmul.f32 v20, v1;
	v27 =	vadd.f32 v17, v9  }
0x157: {  	(xrf2) =	vadd.scan.msk.f32 $0xffff, v30;
	v20 =	vmul.f32 v31, v2;
	v17 =	vld [tilespmem:s16+$0xFFFFFF00]  }
0x158: {  	v14 =	vadd.f32 v16, v14;
	v16 =	vmul.f32 v34, v2;
	v8, _, _ =	vpop (xrf2);
	(xrf2) =	vadd.scan.msk.f32 $0xffff, v12;
	v12 =	vld [tilespmem:s16+$0xFFFFFF10];
	v13 =	vadd.f32 v13, v27  }
0x159: {  	v21 =	vmul.f32 v21, v4;
	v30 =	vadd.f32 v20, v10;
	v20 =	vmul.f32 v26, v1;
	v26 =	vld [tilespmem:s16+$0xFFFFFEC0]  }
0x15a: {  	v14 =	vadd.f32 v16, v14;
	v16 =	vmul.f32 v33, v1;
	v9, _, _ =	vpop (xrf2);
	v27 =	vmul.f32 v18, v3;
	(xrf2) =	vadd.scan.msk.f32 $0xffff, v13;
	v13 =	vld [tilespmem:s16+$0xFFFFFED0]  }
0x15b: {  	v20 =	vadd.f32 v20, v30;
	v18 =	vld [tilespmem:s16+$0xFFFFFE30]  }
0x15c: {  	v22 =	vmul.f32 v22, v2;
	v14 =	vadd.f32 v16, v14;
	v16 =	vld [tilespmem:s16+$0xFFFFFE50];
	v21 =	vadd.f32 v21, v27  }
0x15d: {  	v27 =	vmul.f32 v17, v3;
	v31 =	vmul.f32 v12, v4;
	v10, _, _ =	vpop (xrf2);
	(xrf2) =	vadd.scan.msk.f32 $0xffff, v20;
	v20 =	vld [tilespmem:s16+$0xFFFFFE40]  }
0x15e: {  	v19 =	vmul.f32 v19, v1;
	v30 =	vld [tilespmem:s16+$0xFFFFFE60];
	v61 =	vmul.f32 v26, v3;
	v21 =	vadd.f32 v22, v21  }
0x15f: {  	v22 =	vadd.f32 v31, v27;
	v27 =	vmul.f32 v29, v2;
	v29 =	vld [tilespmem:s16+$0xFFFFFE00];
	v26 =	vmul.f32 v13, v4  }
0x160: {  	v24 =	vmul.f32 v24, v2;
	v31 =	vld [tilespmem:s16+$0xFFFFFE10];
	v19 =	vadd.f32 v19, v21  }
0x161: {  	v17 =	vld [tilespmem:s16+$0xFFFFFE80];
	v12, _, _ =	vpop (xrf2);
	(xrf2) =	vadd.scan.msk.f32 $0xffff, v14;
	v21 =	vadd.f32 v27, v22;
	v22 =	vmul.f32 v25, v1;
	v25 =	vadd.f32 v26, v61  }
0x162: {  	p0 =	sne.s32 s20, $0xF;
	v63 =	vmul.f32 v16, v4;
	v13, _, _ =	vpop (xrf2);
	(xrf2) =	vadd.scan.msk.f32 $0xffff, v19;
	v19 =	vld [tilespmem:s16+$0xFFFFFD80];
	v26 =	vmul.f32 v20, v3  }
.Ltmp0:
0x163: {  	v22 =	vadd.f32 v22, v21;
	v21 =	vld [tilespmem:s16+$0xFFFFFD90];
	v24 =	vadd.f32 v24, v25;
	v25 =	vmul.f32 v28, v1;
	(pc) =	sbr.rel @p0 .LBB2_3-.Ltmp0, $4  }
0x164: {  	v27 =	vmul.f32 v30, v2;
	v20 =	vld [tilespmem:s16+$0xFFFFFDA0];
	v26 =	vadd.f32 v63, v26  }
0x165: {  	v28 =	vmul.f32 v29, v3;
	v29 =	vmul.f32 v31, v4;
	v14, _, _ =	vpop (xrf2);
	(xrf2) =	vadd.scan.msk.f32 $0xffff, v22;
	v22 =	vld [tilespmem:s16+$0xFFFFFDC0];
	v30 =	vadd.f32 v25, v24  }
0x166: {  	vm15 =	vmmov vm1;
	v24 =	vld [tilespmem:s16+$0xFFFFFDD0];
	v25 =	vadd.f32 v27, v26  }
0x167: {  	s18 =	smov.u32 s20;
	s20 =	sadd.s32 $0x1, s20;
	v26 =	vmul.f32 v23, v1;
	v23 =	vld [tilespmem:s16+$0xFFFFFDB0];
	v27 =	vadd.f32 v29, v28;
	v28 =	vmul.f32 v62, v2;
	v16, _, _ =	vpop (xrf2);
	(xrf2) =	vadd.scan.msk.f32 $0xffff, v30  }
0x168: {  	v29 =	vld [tilespmem:s16+$0xFFFFFDE0]  }
0x169: {  	v30 =	vld [tilespmem:s16+$0xFFFFFE90]  }
0x16a: {  	v31 =	vld [tilespmem:s16+$0xFFFFFDF0]  }
0x16b: {  	v32 =	vld [tilespmem:s16+$0xFFFFFEA0]  }
0x16c: {  	v19 =	vmul.f32 v19, v3;
	v21 =	vmul.f32 v21, v4;
	v33 =	vld [tilespmem:s16+$0xFFFFFF50]  }
0x16d: {  	v18 =	vmul.f32 v18, v1;
	v34 =	vld [tilespmem:s16+$0xFFFFFEB0];
	v17 =	vmul.f32 v17, v3  }
0x16e: {  	v36 =	vld [tilespmem:s16+$0xFFFFFF60];
	v22 =	vmul.f32 v22, v3;
	v24 =	vmul.f32 v24, v4  }
0x16f: {  	v38 =	vld [tilespmem:s16+$0x10];
	v27 =	vadd.f32 v28, v27;
	v20 =	vmul.f32 v20, v2;
	v19 =	vadd.f32 v21, v19  }
0x170: {  	v41 =	vld [tilespmem:s16+$0xFFFFFF70];
	v25 =	vadd.f32 v26, v25;
	v22 =	vadd.f32 v24, v22;
	v35 =	vmul.f32 v29, v2  }
0x171: {  	v42 =	vld [tilespmem:s16+$0x20];
	v19 =	vadd.f32 v20, v19;
	v37 =	vmul.f32 v23, v1;
	v39 =	vmul.f32 v30, v4  }
0x172: {  	v44 =	vld [tilespmem:s16+$0x190];
	v18 =	vadd.f32 v18, v27;
	v40 =	vmul.f32 v31, v1;
	v22 =	vadd.f32 v35, v22  }
0x173: {  	v46 =	vld [tilespmem:s16+$0x30];
	(xrf2) =	vadd.scan.msk.f32 $0xffff, v25;
	v43 =	vmul.f32 v32, v2;
	v19 =	vadd.f32 v37, v19;
	v17 =	vadd.f32 v39, v17  }
0x174: {  	v15 =	vmul.f32 v15, v3;
	v48 =	vld [tilespmem:s16+$0x1A0];
	(xrf2) =	vadd.scan.msk.f32 $0xffff, v18;
	v45 =	vmul.f32 v33, v4;
	v22 =	vadd.f32 v40, v22  }
0x175: {  	v50 =	vld [tilespmem:s16+$0x250];
	v47 =	vmul.f32 v34, v1;
	(xrf2) =	vadd.scan.msk.f32 $0xffff, v19;
	v17 =	vadd.f32 v43, v17  }
0x176: {  	v52 =	vld [tilespmem:s16+$0x1B0];
	v49 =	vmul.f32 v36, v2;
	v15 =	vadd.f32 v45, v15;
	(xrf2) =	vadd.scan.msk.f32 $0xffff, v22  }
0x177: {  	v11 =	vmul.f32 v11, v3;
	v54 =	vld [tilespmem:s16+$0x260];
	v51 =	vmul.f32 v38, v4;
	v17 =	vadd.f32 v47, v17  }
0x178: {  	s15 =	sadd.s32 $0x40, s15;
	v63 =	vld [tilespmem:s16+$0x270];
	v53 =	vmul.f32 v41, v1;
	v15 =	vadd.f32 v49, v15  }
0x179: {  	v57 =	vld [tilespmem:s15+$0xFFFFFFE0];
	v26, _, _ =	vpop (xrf2);
	v56 =	vmul.f32 v42, v2;
	v11 =	vadd.f32 v51, v11;
	(xrf2) =	vadd.scan.msk.f32 $0xffff, v17  }
0x17a: {  	v7 =	vmul.f32 v7, v3;
	v60 =	vld [tilespmem:s15+$0xFFFFFFF0];
	v55, _, _ =	vpop (xrf2);
	v59 =	vmul.f32 v44, v4;
	v15 =	vadd.f32 v53, v15  }
0x17b: {  	v62 =	vmul.f32 v46, v1;
	v58, _, _ =	vpop (xrf2);
	v35 =	vld [tilespmem:s15+$0x0];
	v11 =	vadd.f32 v56, v11  }
0x17c: {  	v34 =	vmul.f32 v48, v2;
	v7 =	vadd.f32 v59, v7;
	v61, _, _ =	vpop (xrf2);
	(xrf2) =	vadd.scan.msk.f32 $0xffff, v15  }
0x17d: {  	v6 =	vmul.f32 v6, v3;
	v41 =	vld [tilespmem:s15+$0x10];
	v37 =	vmul.f32 v50, v4;
	v11 =	vadd.f32 v62, v11;
	v33, _, _ =	vpop (xrf2)  }
0x17e: {  	v3 =	vmul.f32 v57, v3;
	v39 =	vmul.f32 v52, v1;
	v7 =	vadd.f32 v34, v7;
	v36, _, _ =	vpop (xrf2)  }
0x17f: {  	v45 =	vmul.f32 v63, v1;
	v6 =	vadd.f32 v37, v6;
	v43 =	vmul.f32 v60, v4;
	(xrf2) =	vadd.scan.msk.f32 $0xffff, v11;
	v38, _, _ =	vpop (xrf2)  }
0x180: {  	v40 =	vmul.f32 v54, v2;
	v7 =	vadd.f32 v39, v7;
	v2 =	vmul.f32 v35, v2;
	v42, _, _ =	vpop (xrf2)  }
0x181: {  	v3 =	vadd.f32 v43, v3;
	v44 =	vbroadcast v38, $0xF;
	v11 =	vbroadcast v42, $0xF  }
0x182: {  	v1 =	vmul.f32 v41, v1;
	v46 =	vadd.f32 v40, v6;
	v47 =	vbroadcast v36, $0xF;
	(xrf2) =	vadd.scan.msk.f32 $0xffff, v7  }
0x183: {  	v48 =	vbroadcast v33, $0xF;
	v2 =	vadd.f32 v2, v3;
	v49, _, _ =	vpop (xrf2);
	v11 =	vsel vm14, v44, v11  }
0x184: {  	v3 =	vadd.f32 v45, v46;
	v51 =	vbroadcast v49, $0xF;
	v50 =	vsel vm0, v11, v47  }
0x185: {  	v52 =	vbroadcast v61, $0xF;
	v1 =	vadd.f32 v1, v2;
	v4 =	vsel vm2, v50, v48  }
0x186: {  	(xrf2) =	vadd.scan.msk.f32 $0xffff, v3;
	v3 =	vbroadcast v58, $0xF;
	v53, _, _ =	vpop (xrf2);
	v2 =	vsel vm3, v4, v51  }
0x187: {  	(xrf2) =	vadd.scan.msk.f32 $0xffff, v1;
	v4 =	vbroadcast v53, $0xF;
	v2 =	vsel vm4, v2, v52  }
0x188: {  	v1 =	vsel vm5, v2, v3;
	v2 =	vbroadcast v55, $0xF  }
0x189: {  	s1 =	sadd.s32 $0x14, s1;
	v54, _, _ =	vpop (xrf2);
	v3 =	vbroadcast v26, $0xF;
	v1 =	vsel vm6, v1, v4  }
0x18a: {  	v57 =	vadd.s32 s1, v0;
	v1 =	vsel vm7, v1, v2;
	v2 =	vbroadcast v54, $0xF  }
0x18b: {  	v59 =	vbroadcast v10, $0xF;
	v61 =	vld [tilespmem:$0x1FFE0];
	v1 =	vsel vm8, v1, v3;
	v3 =	vbroadcast v16, $0xF  }
0x18c: {  	v58 =	vbroadcast v13, $0xF;
	v56, _, _ =	vpop (xrf2);
	v1 =	vsel vm9, v1, v2;
	v2 =	vbroadcast v14, $0xF  }
0x18d: {  	s30 =	sadd.s32 $0xFFFFFFF0, s1;
	v6 =	vbroadcast v56, $0xF;
	v1 =	vsel vm10, v1, v3;
	v3 =	vbroadcast v12, $0xF  }
0x18e: {  	v55 =	vadd.s32 s30, v0;
	v1 =	vsel vm11, v1, v2;
	v2 =	vbroadcast v9, $0xF  }
0x18f: {  	v63 =	vmov s18;
	v1 =	vsel vm12, v1, v3;
	v3 =	vnsel vm14, $0x0, v6  }
0x190: {  	vm0 =	vnez.u8 v61;
	v60, _, _ =	vpop (xrf2);
	v1 =	vsel vm13, v1, v2;
	v2 =	vsel vm15, v3, v58  }
0x191: {  	v62, _, _ =	vpop (xrf2);
	v3 =	vbroadcast v60, $0xF;
	vm15 =	vcmask $0x710;
	v1 =	vsel vm0, v1, v8  }
0x192: {  	v2 =	vsel vm15, v2, v59;
	v8 =	vbroadcast v62, $0xF;
	vm15 =	vcmask $0xB10  }
0x193: {  	v2 =	vsel vm15, v2, v3;
	[tilespmem:v55+s29+$0x0] =	vst.idx.msk $0xffff, v1;
	vm15 =	veq.s32 v63, v0  }
0x194: {  	s12 =	sadd.s32 $0x1, s12;
	v1 =	vsel vm15, v8, v5;
	[tilespmem:v57+s29+$0x0] =	vst.idx.msk $0xf, v2  }
0x195: {  	p0 =	sne.s32 s12, $0x20;
	[tilespmem:s13+$0x10000] =	vst v1;
	v1 =	vld [tilespmem:$0x1FFF0]  }
.Ltmp1:
0x196: {  	_ = 	snop;
	(pc) =	sbr.rel @p0 .LBB2_2-.Ltmp1, $2  }
0x197: {  	_ =	sdelay $0x2  }
0x198: {  	s19 =	sadd.s32 $0x140, s19;
	s0 =	sadd.s32 $0x400, s0;
	vm15 =	vmmov vm1;
	vm1 =	vnez.u8 v1  }
0x199: {  	s0 =	simm.s32 $0x10000  }
0x19a: {  	[hbm4b:s8+s2] =	stream.linear.scatter [tilespmem:s0], [sflag:$0x2], $0x200, $0x38;
	[tilespmem:$0x12A00] =	vst v63  }
0x19b: {  	s31 =	sadd.s32 $0x1, s31;
	_ =	swait.ge [sflag:s11], $0x200  }
0x19c: {  	p0 =	sne.s32 s31, s10;
	[sflag:s11] =	ssyncset.done $0x0  }
.Ltmp2:
0x19d: {  	[sflag:s11] =	ssyncadd.s32 $0xFFFFFE00;
	(pc) =	sbr.rel @p0 .LBB2_1-.Ltmp2, $4  }
0x19e: {  	[hbm4b:s9+s2] =	stream.linear.scatter [tilespmem:s29], [sflag:$0x2], $0x2800, $0x38;
	[tilespmem:$0x12A00] =	vst v63  }
0x19f: {  	_ =	swait.ge [sflag:s11], $0x2800  }
0x1a0: {  	[sflag:s11] =	ssyncset.done $0x0  }
0x1a1: {  	[sflag:s11] =	ssyncadd.s32 $0xFFFFD800  }
0x1a2: {  	_ =	sfence.sel $0x180000  }
0x1a3: {  	[bflag:$0x0] =	sbarrier.arrive $0xFFFF  }
0x1a4: {  	_ =	strace $0x90000047  }
0x1a5: {  	s0 =	stileid.u32;
	[bflag:$0x2] =	sbarrier.arrive $0xFFFF  }
0x1a6: {  	p0 =	sne.s32 s0, $0x0;
	s0 =	rddreg [dreg:$0x3]  }
0x1a7: {  	s0 =	sadd.s32 @!p0 $0x100000, s0  }
0x1a8: {  	[sflag:s0] =	ssyncadd.tile.s32 @!p0 $0x1;
	_ =	shalt  }
.Lfunc_end2:
_tile_overlayer_lowered:
.L_overlay_start_2:
0x1a9: {  	(tag) =	ssettag $0x2  }
0x1aa: {  	s0 =	rddreg [dreg:$0x0];
	s2 =	stileid.u32  }
0x1ab: {  	s1 =	rddreg [dreg:$0x1];
	p0 =	sne.s32 s2, $0x0  }
0x1ac: {  	s3 =	rddreg [dreg:$0x2];
	[bflag:$0x3] =	sbarrier.arrive $0xFFFF;
	s2 =	simm.s32 @!p0 $0x1C02  }
0x1ad: {  	[timem:s3], [sflag:s2] =	dma.local @!p0 [hbm:s0], s1  }
0x1ae: {  	s0 =	simm.s32 @!p0 $0x2  }
0x1af: {  	_ =	swait.ge @!p0 [sflag:s0], s1  }
0x1b0: {  	s1 =	ssub.s32 @!p0 $0x0, s1;
	[sflag:s0] =	ssyncset.done @!p0 $0x0  }
0x1b1: {  	[sflag:s0] =	ssyncadd.s32 @!p0 s1  }
0x1b2: {  	[bflag:$0x3] =	sbarrier.arrive $0xFFFF  }
0x1b3: {  	_ =	shalt  }

</sc_bundles>
